<compile_context>
chip_gen: v7x
topology: tpu7x:2x2x1
jax: 0.10.2.dev20260603
libtpu: 0.0.44.dev20260713+nightly
codegen_flags: <defaults>
</compile_context>

<pallas_src>
import functools

import jax
import jax.numpy as jnp
from jax import lax
from jax.experimental import pallas as pl
from jax.experimental.pallas import tpu as pltpu
from jax.experimental.pallas import tpu_sc as plsc

_N = 10000
_E = 320000
_D = 128
_H = 64
_HH = _H // 2
_H4 = _H // 4

_NW = 32
_NS = 16
_K = 200
_EPT = _E // _NW
_NCH = _EPT // _K
_KC = 2000
_NCC = _EPT // _KC
_NP = 10240
_ZR = _NP // _NS
_G = 2

_NB1 = 5
_RB1 = _N // 2 // _NB1
_EB1 = _E // _NB1
_NB3 = 4
_RB3 = _NP // 2 // _NB3


def _stage1(x2, Wbd, b2, eidx):
  def body(x_ref, w_ref, b_ref, e_ref, h_ref, s_ref, d_ref):
    h_ref[...] = jnp.maximum(
        jnp.dot(x_ref[...], w_ref[...], preferred_element_type=jnp.float32)
        + b_ref[...], 0.0)

    @pl.when(pl.program_id(0) == 0)
    def _():
      s_ref[...] = e_ref[0]
      d_ref[...] = e_ref[1]

  return pl.pallas_call(
      body,
      grid=(_NB1,),
      in_specs=[
          pl.BlockSpec((_RB1, 2 * _D), lambda j: (j, 0)),
          pl.BlockSpec((2 * _D, 2 * _H), lambda j: (0, 0)),
          pl.BlockSpec((1, 2 * _H), lambda j: (0, 0)),
          pl.BlockSpec((2, _E), lambda j: (0, 0)),
      ],
      out_specs=[
          pl.BlockSpec((_RB1, 2 * _H), lambda j: (j, 0)),
          pl.BlockSpec((_E,), lambda j: (0,)),
          pl.BlockSpec((_E,), lambda j: (0,)),
      ],
      out_shape=[
          jax.ShapeDtypeStruct((_N // 2, 2 * _H), jnp.float32),
          jax.ShapeDtypeStruct((_E,), jnp.int32),
          jax.ShapeDtypeStruct((_E,), jnp.int32),
      ],
  )(x2, Wbd, b2, eidx)


def _sc_scatter(h, src, dst, z_h, z_c, ones_g, dep=None):
  mesh = plsc.VectorSubcoreMesh(core_axis_name="c", subcore_axis_name="s")

  @functools.partial(
      pl.kernel,
      out_type=[
          jax.ShapeDtypeStruct((2 * _NP, _H), jnp.float32),
          jax.ShapeDtypeStruct((2 * _NP, _G), jnp.float32),
      ],
      mesh=mesh,
      scratch_types=[
          pltpu.VMEM((_EPT,), jnp.int32),
          pltpu.VMEM((_EPT,), jnp.int32),
          pltpu.VMEM((_K, _H), jnp.float32),
          pltpu.VMEM((_K, _H), jnp.float32),
          pltpu.VMEM((_KC, _G), jnp.float32),
          pltpu.VMEM_SHARED((_NP, _H), jnp.float32),
          pltpu.VMEM_SHARED((_NP, _G), jnp.float32),
          pltpu.SemaphoreType.DMA,
          pltpu.SemaphoreType.DMA,
      ],
      compiler_params=pltpu.CompilerParams(use_tc_tiling_on_sc=False),
  )
  def k(h_hbm, s_hbm, d_hbm, zh_hbm, zc_hbm, ones_hbm, dep_hbm, a_out,
        c_out, src_v, dst_v, msg0, msg1, ones_v, a_s, c_s, sem0, sem1):
    del dep_hbm
    cid = lax.axis_index("c")
    sid = lax.axis_index("s")
    wid = cid * _NS + sid
    pltpu.sync_copy(zh_hbm, a_s.at[pl.ds(sid * _ZR, _ZR)])
    pltpu.sync_copy(zc_hbm, c_s.at[pl.ds(sid * _ZR, _ZR)])
    pltpu.sync_copy(ones_hbm, ones_v)
    e0 = wid * _EPT
    pltpu.sync_copy(s_hbm.at[pl.ds(e0, _EPT)], src_v)
    pltpu.sync_copy(d_hbm.at[pl.ds(e0, _EPT)], dst_v)
    plsc.subcore_barrier()

    msgs = (msg0, msg1)
    sems = (sem0, sem1)
    pltpu.async_copy(h_hbm.at[src_v.at[pl.ds(0, _K)]], msg0, sem0)
    pltpu.async_copy(h_hbm.at[src_v.at[pl.ds(_K, _K)]], msg1, sem1)

    @pl.loop(0, _NCH, step=2)
    def _(j):
      for b in range(2):
        jj = j + b
        pltpu.make_async_copy(h_hbm.at[src_v.at[pl.ds(jj * _K, _K)]],
                              msgs[b], sems[b]).wait()
        pltpu.sync_copy(msgs[b], a_s.at[dst_v.at[pl.ds(jj * _K, _K)]],
                        add=True)

        @pl.when(jj + 2 < _NCH)
        def _():
          pltpu.async_copy(h_hbm.at[src_v.at[pl.ds((jj + 2) * _K, _K)]],
                           msgs[b], sems[b])

    @pl.loop(0, _NCC)
    def _(j):
      pltpu.sync_copy(ones_v, c_s.at[src_v.at[pl.ds(j * _KC, _KC)]],
                      add=True)

    plsc.subcore_barrier()
    row = pl.ds(sid * _ZR, _ZR)
    orow = pl.ds(cid * _NP + sid * _ZR, _ZR)
    pltpu.sync_copy(a_s.at[row], a_out.at[orow])
    pltpu.sync_copy(c_s.at[row], c_out.at[orow])

  if dep is None:
    dep = z_c
  return k(h, src, dst, z_h, z_c, ones_g, dep)


def _stage3(a1, c1, a2, c2, Wbd1, Wbd2, bb1, bb2, Wd, bd, Wo, bo):
  half = _NP // 2 // _RB3

  def body(a1c0, a1c1, c1c0, c1c1, a2c0, a2c1, c2c0, c2c1,
           wb1, wb2, b1r, b2r, wd, bdr, wo, bor, o_ref, acc0, acc1):
    j = pl.program_id(0)

    def weighted(ac0, ac1, cc0, cc1, wb, br):
      y = jnp.dot(ac0[...] + ac1[...], wb[...],
                  preferred_element_type=jnp.float32) + br[...]
      y = jnp.maximum(y, 0.0)
      ce = cc0[:, 0:1] + cc1[:, 0:1]
      co = cc0[:, _G:_G + 1] + cc1[:, _G:_G + 1]
      return (jnp.sum(y[:, :_HH] * ce, axis=0, keepdims=True)
              + jnp.sum(y[:, _HH:] * co, axis=0, keepdims=True))

    p1 = weighted(a1c0, a1c1, c1c0, c1c1, wb1, b1r)
    p2 = weighted(a2c0, a2c1, c2c0, c2c1, wb2, b2r)

    @pl.when(j == 0)
    def _():
      acc0[...] = p1
      acc1[...] = p2

    @pl.when(j > 0)
    def _():
      acc0[...] = acc0[...] + p1
      acc1[...] = acc1[...] + p2

    @pl.when(j == _NB3 - 1)
    def _():
      p0 = acc0[...] * (1.0 / _N)
      p1f = acc1[...] * (1.0 / _N)
      t = (jnp.dot(p0, wd[0:_HH], preferred_element_type=jnp.float32)
           + jnp.dot(p1f, wd[_HH:_H], preferred_element_type=jnp.float32)
           + bdr[...])
      t = jnp.maximum(t, 0.0)
      z = jnp.dot(t, wo[...], preferred_element_type=jnp.float32) + bor[...]
      o_ref[...] = 1.0 / (1.0 + jnp.exp(-z))

  return pl.pallas_call(
      body,
      grid=(_NB3,),
      in_specs=[
          pl.BlockSpec((_RB3, 2 * _H), lambda j: (j, 0)),
          pl.BlockSpec((_RB3, 2 * _H), lambda j: (half + j, 0)),
          pl.BlockSpec((_RB3, 2 * _G), lambda j: (j, 0)),
          pl.BlockSpec((_RB3, 2 * _G), lambda j: (half + j, 0)),
          pl.BlockSpec((_RB3, 2 * _H), lambda j: (j, 0)),
          pl.BlockSpec((_RB3, 2 * _H), lambda j: (half + j, 0)),
          pl.BlockSpec((_RB3, 2 * _G), lambda j: (j, 0)),
          pl.BlockSpec((_RB3, 2 * _G), lambda j: (half + j, 0)),
          pl.BlockSpec((2 * _H, 2 * _HH), lambda j: (0, 0)),
          pl.BlockSpec((2 * _H, 2 * _HH), lambda j: (0, 0)),
          pl.BlockSpec((1, 2 * _HH), lambda j: (0, 0)),
          pl.BlockSpec((1, 2 * _HH), lambda j: (0, 0)),
          pl.BlockSpec((_H, _H4), lambda j: (0, 0)),
          pl.BlockSpec((1, _H4), lambda j: (0, 0)),
          pl.BlockSpec((_H4, 1), lambda j: (0, 0)),
          pl.BlockSpec((1, 1), lambda j: (0, 0)),
      ],
      out_specs=pl.BlockSpec((1, 1), lambda j: (0, 0)),
      out_shape=jax.ShapeDtypeStruct((1, 1), jnp.float32),
      scratch_shapes=[
          pltpu.VMEM((1, _HH), jnp.float32),
          pltpu.VMEM((1, _HH), jnp.float32),
      ],
  )(a1, a1, c1, c1, a2, a2, c2, c2, Wbd1, Wbd2, bb1, bb2, Wd, bd, Wo, bo)


def _blockdiag(W):
  din, dout = W.shape
  z = jnp.zeros((din, dout), W.dtype)
  return jnp.concatenate(
      [jnp.concatenate([W, z], axis=1), jnp.concatenate([z, W], axis=1)],
      axis=0)


def kernel(x1, edge_index1, x2, edge_index2, W1a, b1a, W1b, b1b,
           W2a, b2a, W2b, b2b, Wd, bd, Wo, bo):
  z_h = jnp.zeros((_ZR, _H), jnp.float32)
  z_c = jnp.zeros((_ZR, _G), jnp.float32)
  ones_g = jnp.ones((_KC, _G), jnp.float32)

  h1, src1, dst1 = _stage1(x1.reshape(_N // 2, 2 * _D), _blockdiag(W1a),
                           jnp.tile(b1a, 2).reshape(1, 2 * _H), edge_index1)
  a1_out, c1_out = _sc_scatter(h1.reshape(_N, _H), src1, dst1,
                               z_h, z_c, ones_g)

  h2, src2, dst2 = _stage1(x2.reshape(_N // 2, 2 * _D), _blockdiag(W2a),
                           jnp.tile(b2a, 2).reshape(1, 2 * _H), edge_index2)
  a2_out, c2_out = _sc_scatter(h2.reshape(_N, _H), src2, dst2,
                               z_h, z_c, ones_g,
                               dep=c1_out[:_ZR, :_G])

  return _stage3(a1_out.reshape(_NP, 2 * _H), c1_out.reshape(_NP, 2 * _G),
                 a2_out.reshape(_NP, 2 * _H), c2_out.reshape(_NP, 2 * _G),
                 _blockdiag(W1b), _blockdiag(W2b),
                 jnp.tile(b1b, 2).reshape(1, 2 * _HH),
                 jnp.tile(b2b, 2).reshape(1, 2 * _HH),
                 Wd, bd.reshape(1, _H4), Wo.reshape(_H4, 1),
                 bo.reshape(1, 1))

# --- scband reference (transcript-rebuilt; emitter-appended) ---
"""Pipeline reference for scband-prgnn-78005196030565 (READ-ONLY COPY).

The authoritative reference and input builder live on the scoring server;
editing this copy changes nothing except your own understanding.
"""

import jax, jax.numpy as jnp
import numpy as np

N = 10000
E = 320000
D = 128
H = 64

def setup_inputs(seed: int = 0):
    key = jax.random.key(seed)
    ks = jax.random.split(key, 20)
    def glorot(k, shape):
        lim = np.sqrt(6.0 / (shape[0] + shape[1]))
        return jax.random.uniform(k, shape, dtype=jnp.float32, minval=-lim, maxval=lim)
    inp = {}
    inp["x1"] = jax.random.normal(ks[0], (N, D), dtype=jnp.float32)
    inp["edge_index1"] = jax.random.randint(ks[1], (2, E), 0, N, dtype=jnp.int32)
    inp["x2"] = jax.random.normal(ks[2], (N, D), dtype=jnp.float32)
    inp["edge_index2"] = jax.random.randint(ks[3], (2, E), 0, N, dtype=jnp.int32)
    inp["W1a"] = glorot(ks[4], (D, H)); inp["b1a"] = jnp.zeros((H,), jnp.float32)
    inp["W1b"] = glorot(ks[5], (H, H // 2)); inp["b1b"] = jnp.zeros((H // 2,), jnp.float32)
    inp["W2a"] = glorot(ks[6], (D, H)); inp["b2a"] = jnp.zeros((H,), jnp.float32)
    inp["W2b"] = glorot(ks[7], (H, H // 2)); inp["b2b"] = jnp.zeros((H // 2,), jnp.float32)
    inp["Wd"] = glorot(ks[8], (H, H // 4)); inp["bd"] = jnp.zeros((H // 4,), jnp.float32)
    inp["Wo"] = glorot(ks[9], (H // 4, 1)); inp["bo"] = jnp.zeros((1,), jnp.float32)
    return inp

def _general_conv(x, edge_index, W, b):
    # GeneralConv (spektral): dense transform + activation, then sum-aggregate
    # source-node messages onto destination nodes (scatter-add over edges).
    h = jax.nn.relu(x @ W + b)
    src = edge_index[0]
    dst = edge_index[1]
    msg = jnp.take(h, src, axis=0)
    return jax.ops.segment_sum(msg, dst, num_segments=x.shape[0])

def reference(x1, edge_index1, x2, edge_index2, W1a, b1a, W1b, b1b, W2a, b2a, W2b, b2b, Wd, bd, Wo, bo):
    out1 = _general_conv(x1, edge_index1, W1a, b1a)
    out1 = _general_conv(out1, edge_index1, W1b, b1b)
    out1 = jnp.mean(out1, axis=0, keepdims=True)  # GlobalAvgPool
    out2 = _general_conv(x2, edge_index2, W2a, b2a)
    out2 = _general_conv(out2, edge_index2, W2b, b2b)
    out2 = jnp.mean(out2, axis=0, keepdims=True)
    out = jnp.concatenate([out1, out2], axis=-1)
    out = jax.nn.relu(out @ Wd + bd)
    out = jax.nn.sigmoid(out @ Wo + bo)
    return out

if __name__ == "__main__":
    import jax
    _d = setup_inputs()
    print(jax.jit(kernel)(*tuple(_d.values())))

</pallas_src>

<mosaic_0001>
#map = affine_map<(d0, d1) -> (0, 0)>
#map1 = affine_map<(d0, d1) -> (0)>
module attributes {stable_mosaic.version = 14 : i64} {
  func.func @k(%arg0: i32, %arg1: i32, %arg2: memref<10000x64xf32, #tpu.memory_space<hbm>>, %arg3: memref<320000xi32, #tpu.memory_space<hbm>>, %arg4: memref<320000xi32, #tpu.memory_space<hbm>>, %arg5: memref<640x64xf32, #tpu.memory_space<hbm>>, %arg6: memref<640x2xf32, #tpu.memory_space<hbm>>, %arg7: memref<2000x2xf32, #tpu.memory_space<hbm>>, %arg8: memref<640x2xf32, #tpu.memory_space<hbm>>, %arg9: memref<20480x64xf32, #tpu.memory_space<hbm>>, %arg10: memref<20480x2xf32, #tpu.memory_space<hbm>>, %arg11: memref<10000xi32, #tpu.memory_space<vmem>>, %arg12: memref<10000xi32, #tpu.memory_space<vmem>>, %arg13: memref<200x64xf32, #tpu.memory_space<vmem>>, %arg14: memref<200x64xf32, #tpu.memory_space<vmem>>, %arg15: memref<2000x2xf32, #tpu.memory_space<vmem>>, %arg16: memref<10240x64xf32, #tpu.memory_space<vmem_shared>>, %arg17: memref<10240x2xf32, #tpu.memory_space<vmem_shared>>, %arg18: memref<!tpu.dma_semaphore, #tpu.memory_space<semaphore_mem>>, %arg19: memref<!tpu.dma_semaphore, #tpu.memory_space<semaphore_mem>>) attributes {dimension_semantics = [#tpu.dimension_semantics<core_parallel>, #tpu.dimension_semantics<subcore_parallel>], iteration_bounds = array<i64: 2, 16>, scalar_prefetch = 0 : i64, scratch_operands = 9 : i64, tpu.core_type = #tpu.core_type<sc_vector_subcore>, window_params = [{transform_indices = #map}, {transform_indices = #map1}, {transform_indices = #map1}, {transform_indices = #map}, {transform_indices = #map}, {transform_indices = #map}, {transform_indices = #map}, {transform_indices = #map}, {transform_indices = #map}]} {
    %mul3A = arith.constant 16 : i32
    %mul3A_0 = arith.muli %arg0, %mul3A : i32
    %add3A = arith.addi %mul3A_0, %arg1 : i32
    %mul3A_1 = arith.constant 640 : i32
    %mul3A_2 = arith.muli %arg1, %mul3A_1 : i32
    "tpu.region"() ({
      %run_scoped3A = tpu.sem_alloc : memref<!tpu.dma_semaphore, #tpu.memory_space<semaphore_mem>>
      %dma_start3A_33 = arith.constant 0 : i32
      %dma_start3A_34 = tpu.memref_slice %arg16[%mul3A_2, %dma_start3A_33] : memref<10240x64xf32, #tpu.memory_space<vmem_shared>> -> memref<640x64xf32, #tpu.memory_space<vmem_shared>>
      tpu.enqueue_dma source(%arg5 : memref<640x64xf32, #tpu.memory_space<hbm>>) target(%dma_start3A_34 : memref<640x64xf32, #tpu.memory_space<vmem_shared>>) target_semaphore(%run_scoped3A : memref<!tpu.dma_semaphore, #tpu.memory_space<semaphore_mem>>)
      %dma_wait3A = arith.constant 0 : i32
      %dma_wait3A_35 = tpu.memref_slice %arg16[%mul3A_2, %dma_wait3A] : memref<10240x64xf32, #tpu.memory_space<vmem_shared>> -> memref<640x64xf32, #tpu.memory_space<vmem_shared>>
      tpu.wait_dma2 semaphore(%run_scoped3A : memref<!tpu.dma_semaphore, #tpu.memory_space<semaphore_mem>>) src(%arg5 : memref<640x64xf32, #tpu.memory_space<hbm>>) dst(%dma_wait3A_35 : memref<640x64xf32, #tpu.memory_space<vmem_shared>>)
      tpu.yield
    }) : () -> ()
    %mul3A_3 = arith.constant 640 : i32
    %mul3A_4 = arith.muli %arg1, %mul3A_3 : i32
    "tpu.region"() ({
      %run_scoped3A = tpu.sem_alloc : memref<!tpu.dma_semaphore, #tpu.memory_space<semaphore_mem>>
      %dma_start3A_33 = arith.constant 0 : i32
      %dma_start3A_34 = tpu.memref_slice %arg17[%mul3A_4, %dma_start3A_33] : memref<10240x2xf32, #tpu.memory_space<vmem_shared>> -> memref<640x2xf32, #tpu.memory_space<vmem_shared>>
      tpu.enqueue_dma source(%arg6 : memref<640x2xf32, #tpu.memory_space<hbm>>) target(%dma_start3A_34 : memref<640x2xf32, #tpu.memory_space<vmem_shared>>) target_semaphore(%run_scoped3A : memref<!tpu.dma_semaphore, #tpu.memory_space<semaphore_mem>>)
      %dma_wait3A = arith.constant 0 : i32
      %dma_wait3A_35 = tpu.memref_slice %arg17[%mul3A_4, %dma_wait3A] : memref<10240x2xf32, #tpu.memory_space<vmem_shared>> -> memref<640x2xf32, #tpu.memory_space<vmem_shared>>
      tpu.wait_dma2 semaphore(%run_scoped3A : memref<!tpu.dma_semaphore, #tpu.memory_space<semaphore_mem>>) src(%arg6 : memref<640x2xf32, #tpu.memory_space<hbm>>) dst(%dma_wait3A_35 : memref<640x2xf32, #tpu.memory_space<vmem_shared>>)
      tpu.yield
    }) : () -> ()
    "tpu.region"() ({
      %run_scoped3A = tpu.sem_alloc : memref<!tpu.dma_semaphore, #tpu.memory_space<semaphore_mem>>
      tpu.enqueue_dma source(%arg7 : memref<2000x2xf32, #tpu.memory_space<hbm>>) target(%arg15 : memref<2000x2xf32, #tpu.memory_space<vmem>>) target_semaphore(%run_scoped3A : memref<!tpu.dma_semaphore, #tpu.memory_space<semaphore_mem>>)
      tpu.wait_dma2 semaphore(%run_scoped3A : memref<!tpu.dma_semaphore, #tpu.memory_space<semaphore_mem>>) src(%arg7 : memref<2000x2xf32, #tpu.memory_space<hbm>>) dst(%arg15 : memref<2000x2xf32, #tpu.memory_space<vmem>>)
      tpu.yield
    }) : () -> ()
    %mul3A_5 = arith.constant 10000 : i32
    %mul3A_6 = arith.muli %add3A, %mul3A_5 : i32
    "tpu.region"() ({
      %run_scoped3A = tpu.sem_alloc : memref<!tpu.dma_semaphore, #tpu.memory_space<semaphore_mem>>
      %dma_start3A_33 = tpu.memref_slice %arg3[%mul3A_6] : memref<320000xi32, #tpu.memory_space<hbm>> -> memref<10000xi32, #tpu.memory_space<hbm>>
      %dma_start3A_34 = tpu.memref_slice %arg3[%mul3A_6] : memref<320000xi32, #tpu.memory_space<hbm>> -> memref<10000xi32, #tpu.memory_space<hbm>>
      tpu.enqueue_dma source(%dma_start3A_34 : memref<10000xi32, #tpu.memory_space<hbm>>) target(%arg11 : memref<10000xi32, #tpu.memory_space<vmem>>) target_semaphore(%run_scoped3A : memref<!tpu.dma_semaphore, #tpu.memory_space<semaphore_mem>>)
      %dma_wait3A = tpu.memref_slice %arg3[%mul3A_6] : memref<320000xi32, #tpu.memory_space<hbm>> -> memref<10000xi32, #tpu.memory_space<hbm>>
      %dma_wait3A_35 = tpu.memref_slice %arg3[%mul3A_6] : memref<320000xi32, #tpu.memory_space<hbm>> -> memref<10000xi32, #tpu.memory_space<hbm>>
      tpu.wait_dma2 semaphore(%run_scoped3A : memref<!tpu.dma_semaphore, #tpu.memory_space<semaphore_mem>>) src(%dma_wait3A_35 : memref<10000xi32, #tpu.memory_space<hbm>>) dst(%arg11 : memref<10000xi32, #tpu.memory_space<vmem>>)
      tpu.yield
    }) : () -> ()
    "tpu.region"() ({
      %run_scoped3A = tpu.sem_alloc : memref<!tpu.dma_semaphore, #tpu.memory_space<semaphore_mem>>
      %dma_start3A_33 = tpu.memref_slice %arg4[%mul3A_6] : memref<320000xi32, #tpu.memory_space<hbm>> -> memref<10000xi32, #tpu.memory_space<hbm>>
      %dma_start3A_34 = tpu.memref_slice %arg4[%mul3A_6] : memref<320000xi32, #tpu.memory_space<hbm>> -> memref<10000xi32, #tpu.memory_space<hbm>>
      tpu.enqueue_dma source(%dma_start3A_34 : memref<10000xi32, #tpu.memory_space<hbm>>) target(%arg12 : memref<10000xi32, #tpu.memory_space<vmem>>) target_semaphore(%run_scoped3A : memref<!tpu.dma_semaphore, #tpu.memory_space<semaphore_mem>>)
      %dma_wait3A = tpu.memref_slice %arg4[%mul3A_6] : memref<320000xi32, #tpu.memory_space<hbm>> -> memref<10000xi32, #tpu.memory_space<hbm>>
      %dma_wait3A_35 = tpu.memref_slice %arg4[%mul3A_6] : memref<320000xi32, #tpu.memory_space<hbm>> -> memref<10000xi32, #tpu.memory_space<hbm>>
      tpu.wait_dma2 semaphore(%run_scoped3A : memref<!tpu.dma_semaphore, #tpu.memory_space<semaphore_mem>>) src(%dma_wait3A_35 : memref<10000xi32, #tpu.memory_space<hbm>>) dst(%arg12 : memref<10000xi32, #tpu.memory_space<vmem>>)
      tpu.yield
    }) : () -> ()
    %barrier3A = arith.constant 0 : index
    tpu.barrier barrier_id(%barrier3A)
    %dma_start3A = arith.constant 0 : i32
    %dma_start3A_7 = tpu.memref_slice %arg11[%dma_start3A] : memref<10000xi32, #tpu.memory_space<vmem>> -> memref<200xi32, #tpu.memory_space<vmem>>
    %dma_start3A_8 = arith.constant 0 : i32
    %dma_start3A_9 = arith.constant 0 : i32
    %dma_start3A_10 = tpu.memref_slice %arg2[%dma_start3A_8, %dma_start3A_9] : memref<10000x64xf32, #tpu.memory_space<hbm>> -> memref<10000x64xf32, #tpu.memory_space<hbm>>
    tpu.enqueue_indirect_dma source(%dma_start3A_10 : memref<10000x64xf32, #tpu.memory_space<hbm>>) target(%arg13 : memref<200x64xf32, #tpu.memory_space<vmem>>) offsets(%dma_start3A_7 : memref<200xi32, #tpu.memory_space<vmem>>) semaphore(%arg18 : memref<!tpu.dma_semaphore, #tpu.memory_space<semaphore_mem>>)
    %dma_start3A_11 = arith.constant 200 : i32
    %dma_start3A_12 = tpu.memref_slice %arg11[%dma_start3A_11] : memref<10000xi32, #tpu.memory_space<vmem>> -> memref<200xi32, #tpu.memory_space<vmem>>
    %dma_start3A_13 = arith.constant 0 : i32
    %dma_start3A_14 = arith.constant 0 : i32
    %dma_start3A_15 = tpu.memref_slice %arg2[%dma_start3A_13, %dma_start3A_14] : memref<10000x64xf32, #tpu.memory_space<hbm>> -> memref<10000x64xf32, #tpu.memory_space<hbm>>
    tpu.enqueue_indirect_dma source(%dma_start3A_15 : memref<10000x64xf32, #tpu.memory_space<hbm>>) target(%arg14 : memref<200x64xf32, #tpu.memory_space<vmem>>) offsets(%dma_start3A_12 : memref<200xi32, #tpu.memory_space<vmem>>) semaphore(%arg19 : memref<!tpu.dma_semaphore, #tpu.memory_space<semaphore_mem>>)
    %scan3A = arith.constant 0 : i32
    %scan3A_16 = arith.constant 25 : i32
    %scan3A_17 = arith.addi %scan3A, %scan3A_16 : i32
    %scan3A_18 = arith.constant 1 : i32
    scf.for %scan3A_33 = %scan3A to %scan3A_17 step %scan3A_18  : i32 {
      %mul3A_34 = arith.constant 2 : i32
      %mul3A_35 = arith.muli %scan3A_33, %mul3A_34 : i32
      %add3A_36 = arith.constant 0 : i32
      %add3A_37 = arith.addi %add3A_36, %mul3A_35 : i32
      %add3A_38 = arith.constant 0 : i32
      %add3A_39 = arith.addi %add3A_37, %add3A_38 : i32
      %mul3A_40 = arith.constant 200 : i32
      %mul3A_41 = arith.muli %add3A_39, %mul3A_40 : i32
      %dma_wait3A = tpu.memref_slice %arg11[%mul3A_41] : memref<10000xi32, #tpu.memory_space<vmem>> -> memref<200xi32, #tpu.memory_space<vmem>>
      %dma_wait3A_42 = arith.constant 0 : i32
      %dma_wait3A_43 = arith.constant 0 : i32
      %dma_wait3A_44 = tpu.memref_slice %arg2[%dma_wait3A_42, %dma_wait3A_43] : memref<10000x64xf32, #tpu.memory_space<hbm>> -> memref<10000x64xf32, #tpu.memory_space<hbm>>
      tpu.wait_indirect_dma semaphore(%arg18 : memref<!tpu.dma_semaphore, #tpu.memory_space<semaphore_mem>>) src(%dma_wait3A_44 : memref<10000x64xf32, #tpu.memory_space<hbm>>) dst(%arg13 : memref<200x64xf32, #tpu.memory_space<vmem>>)
      %mul3A_45 = arith.constant 200 : i32
      %mul3A_46 = arith.muli %add3A_39, %mul3A_45 : i32
      "tpu.region"() ({
        %run_scoped3A = tpu.sem_alloc : memref<!tpu.dma_semaphore, #tpu.memory_space<semaphore_mem>>
        %dma_start3A_68 = tpu.memref_slice %arg12[%mul3A_46] : memref<10000xi32, #tpu.memory_space<vmem>> -> memref<200xi32, #tpu.memory_space<vmem>>
        %dma_start3A_69 = arith.constant 0 : i32
        %dma_start3A_70 = arith.constant 0 : i32
        %dma_start3A_71 = tpu.memref_slice %arg16[%dma_start3A_69, %dma_start3A_70] : memref<10240x64xf32, #tpu.memory_space<vmem_shared>> -> memref<10240x64xf32, #tpu.memory_space<vmem_shared>>
        tpu.enqueue_indirect_dma source(%arg13 : memref<200x64xf32, #tpu.memory_space<vmem>>) target(%dma_start3A_71 : memref<10240x64xf32, #tpu.memory_space<vmem_shared>>) offsets(%dma_start3A_68 : memref<200xi32, #tpu.memory_space<vmem>>) semaphore(%run_scoped3A : memref<!tpu.dma_semaphore, #tpu.memory_space<semaphore_mem>>) {add = true}
        %dma_wait3A_72 = tpu.memref_slice %arg12[%mul3A_46] : memref<10000xi32, #tpu.memory_space<vmem>> -> memref<200xi32, #tpu.memory_space<vmem>>
        %dma_wait3A_73 = arith.constant 0 : i32
        %dma_wait3A_74 = arith.constant 0 : i32
        %dma_wait3A_75 = tpu.memref_slice %arg16[%dma_wait3A_73, %dma_wait3A_74] : memref<10240x64xf32, #tpu.memory_space<vmem_shared>> -> memref<10240x64xf32, #tpu.memory_space<vmem_shared>>
        tpu.wait_indirect_dma semaphore(%run_scoped3A : memref<!tpu.dma_semaphore, #tpu.memory_space<semaphore_mem>>) src(%arg13 : memref<200x64xf32, #tpu.memory_space<vmem>>) dst(%dma_wait3A_75 : memref<10240x64xf32, #tpu.memory_space<vmem_shared>>)
        tpu.yield
      }) : () -> ()
      %add3A_47 = arith.constant 2 : i32
      %add3A_48 = arith.addi %add3A_39, %add3A_47 : i32
      %lt3A = arith.constant 50 : i32
      %lt3A_49 = arith.cmpi slt, %add3A_48, %lt3A : i32
      %convert_element_type3A = arith.extui %lt3A_49 : i1 to i32
      %cond3A = arith.constant 0 : i32
      %cond3A_50 = arith.cmpi ne, %convert_element_type3A, %cond3A : i32
      scf.if %cond3A_50 {
        %add3A_68 = arith.constant 2 : i32
        %add3A_69 = arith.addi %add3A_39, %add3A_68 : i32
        %mul3A_70 = arith.constant 200 : i32
        %mul3A_71 = arith.muli %add3A_69, %mul3A_70 : i32
        %dma_start3A_72 = tpu.memref_slice %arg11[%mul3A_71] : memref<10000xi32, #tpu.memory_space<vmem>> -> memref<200xi32, #tpu.memory_space<vmem>>
        %dma_start3A_73 = arith.constant 0 : i32
        %dma_start3A_74 = arith.constant 0 : i32
        %dma_start3A_75 = tpu.memref_slice %arg2[%dma_start3A_73, %dma_start3A_74] : memref<10000x64xf32, #tpu.memory_space<hbm>> -> memref<10000x64xf32, #tpu.memory_space<hbm>>
        tpu.enqueue_indirect_dma source(%dma_start3A_75 : memref<10000x64xf32, #tpu.memory_space<hbm>>) target(%arg13 : memref<200x64xf32, #tpu.memory_space<vmem>>) offsets(%dma_start3A_72 : memref<200xi32, #tpu.memory_space<vmem>>) semaphore(%arg18 : memref<!tpu.dma_semaphore, #tpu.memory_space<semaphore_mem>>)
      } else {
      }
      %add3A_51 = arith.constant 1 : i32
      %add3A_52 = arith.addi %add3A_37, %add3A_51 : i32
      %mul3A_53 = arith.constant 200 : i32
      %mul3A_54 = arith.muli %add3A_52, %mul3A_53 : i32
      %dma_wait3A_55 = tpu.memref_slice %arg11[%mul3A_54] : memref<10000xi32, #tpu.memory_space<vmem>> -> memref<200xi32, #tpu.memory_space<vmem>>
      %dma_wait3A_56 = arith.constant 0 : i32
      %dma_wait3A_57 = arith.constant 0 : i32
      %dma_wait3A_58 = tpu.memref_slice %arg2[%dma_wait3A_56, %dma_wait3A_57] : memref<10000x64xf32, #tpu.memory_space<hbm>> -> memref<10000x64xf32, #tpu.memory_space<hbm>>
      tpu.wait_indirect_dma semaphore(%arg19 : memref<!tpu.dma_semaphore, #tpu.memory_space<semaphore_mem>>) src(%dma_wait3A_58 : memref<10000x64xf32, #tpu.memory_space<hbm>>) dst(%arg14 : memref<200x64xf32, #tpu.memory_space<vmem>>)
      %mul3A_59 = arith.constant 200 : i32
      %mul3A_60 = arith.muli %add3A_52, %mul3A_59 : i32
      "tpu.region"() ({
        %run_scoped3A = tpu.sem_alloc : memref<!tpu.dma_semaphore, #tpu.memory_space<semaphore_mem>>
        %dma_start3A_68 = tpu.memref_slice %arg12[%mul3A_60] : memref<10000xi32, #tpu.memory_space<vmem>> -> memref<200xi32, #tpu.memory_space<vmem>>
        %dma_start3A_69 = arith.constant 0 : i32
        %dma_start3A_70 = arith.constant 0 : i32
        %dma_start3A_71 = tpu.memref_slice %arg16[%dma_start3A_69, %dma_start3A_70] : memref<10240x64xf32, #tpu.memory_space<vmem_shared>> -> memref<10240x64xf32, #tpu.memory_space<vmem_shared>>
        tpu.enqueue_indirect_dma source(%arg14 : memref<200x64xf32, #tpu.memory_space<vmem>>) target(%dma_start3A_71 : memref<10240x64xf32, #tpu.memory_space<vmem_shared>>) offsets(%dma_start3A_68 : memref<200xi32, #tpu.memory_space<vmem>>) semaphore(%run_scoped3A : memref<!tpu.dma_semaphore, #tpu.memory_space<semaphore_mem>>) {add = true}
        %dma_wait3A_72 = tpu.memref_slice %arg12[%mul3A_60] : memref<10000xi32, #tpu.memory_space<vmem>> -> memref<200xi32, #tpu.memory_space<vmem>>
        %dma_wait3A_73 = arith.constant 0 : i32
        %dma_wait3A_74 = arith.constant 0 : i32
        %dma_wait3A_75 = tpu.memref_slice %arg16[%dma_wait3A_73, %dma_wait3A_74] : memref<10240x64xf32, #tpu.memory_space<vmem_shared>> -> memref<10240x64xf32, #tpu.memory_space<vmem_shared>>
        tpu.wait_indirect_dma semaphore(%run_scoped3A : memref<!tpu.dma_semaphore, #tpu.memory_space<semaphore_mem>>) src(%arg14 : memref<200x64xf32, #tpu.memory_space<vmem>>) dst(%dma_wait3A_75 : memref<10240x64xf32, #tpu.memory_space<vmem_shared>>)
        tpu.yield
      }) : () -> ()
      %add3A_61 = arith.constant 2 : i32
      %add3A_62 = arith.addi %add3A_52, %add3A_61 : i32
      %lt3A_63 = arith.constant 50 : i32
      %lt3A_64 = arith.cmpi slt, %add3A_62, %lt3A_63 : i32
      %convert_element_type3A_65 = arith.extui %lt3A_64 : i1 to i32
      %cond3A_66 = arith.constant 0 : i32
      %cond3A_67 = arith.cmpi ne, %convert_element_type3A_65, %cond3A_66 : i32
      scf.if %cond3A_67 {
        %add3A_68 = arith.constant 2 : i32
        %add3A_69 = arith.addi %add3A_52, %add3A_68 : i32
        %mul3A_70 = arith.constant 200 : i32
        %mul3A_71 = arith.muli %add3A_69, %mul3A_70 : i32
        %dma_start3A_72 = tpu.memref_slice %arg11[%mul3A_71] : memref<10000xi32, #tpu.memory_space<vmem>> -> memref<200xi32, #tpu.memory_space<vmem>>
        %dma_start3A_73 = arith.constant 0 : i32
        %dma_start3A_74 = arith.constant 0 : i32
        %dma_start3A_75 = tpu.memref_slice %arg2[%dma_start3A_73, %dma_start3A_74] : memref<10000x64xf32, #tpu.memory_space<hbm>> -> memref<10000x64xf32, #tpu.memory_space<hbm>>
        tpu.enqueue_indirect_dma source(%dma_start3A_75 : memref<10000x64xf32, #tpu.memory_space<hbm>>) target(%arg14 : memref<200x64xf32, #tpu.memory_space<vmem>>) offsets(%dma_start3A_72 : memref<200xi32, #tpu.memory_space<vmem>>) semaphore(%arg19 : memref<!tpu.dma_semaphore, #tpu.memory_space<semaphore_mem>>)
      } else {
      }
    }
    %scan3A_19 = arith.constant 25 : i32
    %scan3A_20 = arith.constant 0 : i32
    %scan3A_21 = arith.constant 5 : i32
    %scan3A_22 = arith.addi %scan3A_20, %scan3A_21 : i32
    %scan3A_23 = arith.constant 1 : i32
    scf.for %scan3A_33 = %scan3A_20 to %scan3A_22 step %scan3A_23  : i32 {
      %mul3A_34 = arith.constant 1 : i32
      %mul3A_35 = arith.muli %scan3A_33, %mul3A_34 : i32
      %add3A_36 = arith.constant 0 : i32
      %add3A_37 = arith.addi %add3A_36, %mul3A_35 : i32
      %mul3A_38 = arith.constant 2000 : i32
      %mul3A_39 = arith.muli %add3A_37, %mul3A_38 : i32
      "tpu.region"() ({
        %run_scoped3A = tpu.sem_alloc : memref<!tpu.dma_semaphore, #tpu.memory_space<semaphore_mem>>
        %dma_start3A_40 = tpu.memref_slice %arg11[%mul3A_39] : memref<10000xi32, #tpu.memory_space<vmem>> -> memref<2000xi32, #tpu.memory_space<vmem>>
        %dma_start3A_41 = arith.constant 0 : i32
        %dma_start3A_42 = arith.constant 0 : i32
        %dma_start3A_43 = tpu.memref_slice %arg17[%dma_start3A_41, %dma_start3A_42] : memref<10240x2xf32, #tpu.memory_space<vmem_shared>> -> memref<10240x2xf32, #tpu.memory_space<vmem_shared>>
        tpu.enqueue_indirect_dma source(%arg15 : memref<2000x2xf32, #tpu.memory_space<vmem>>) target(%dma_start3A_43 : memref<10240x2xf32, #tpu.memory_space<vmem_shared>>) offsets(%dma_start3A_40 : memref<2000xi32, #tpu.memory_space<vmem>>) semaphore(%run_scoped3A : memref<!tpu.dma_semaphore, #tpu.memory_space<semaphore_mem>>) {add = true}
        %dma_wait3A = tpu.memref_slice %arg11[%mul3A_39] : memref<10000xi32, #tpu.memory_space<vmem>> -> memref<2000xi32, #tpu.memory_space<vmem>>
        %dma_wait3A_44 = arith.constant 0 : i32
        %dma_wait3A_45 = arith.constant 0 : i32
        %dma_wait3A_46 = tpu.memref_slice %arg17[%dma_wait3A_44, %dma_wait3A_45] : memref<10240x2xf32, #tpu.memory_space<vmem_shared>> -> memref<10240x2xf32, #tpu.memory_space<vmem_shared>>
        tpu.wait_indirect_dma semaphore(%run_scoped3A : memref<!tpu.dma_semaphore, #tpu.memory_space<semaphore_mem>>) src(%arg15 : memref<2000x2xf32, #tpu.memory_space<vmem>>) dst(%dma_wait3A_46 : memref<10240x2xf32, #tpu.memory_space<vmem_shared>>)
        tpu.yield
      }) : () -> ()
    }
    %scan3A_24 = arith.constant 5 : i32
    %barrier3A_25 = arith.constant 0 : index
    tpu.barrier barrier_id(%barrier3A_25)
    %mul3A_26 = arith.constant 640 : i32
    %mul3A_27 = arith.muli %arg1, %mul3A_26 : i32
    %mul3A_28 = arith.constant 10240 : i32
    %mul3A_29 = arith.muli %arg0, %mul3A_28 : i32
    %mul3A_30 = arith.constant 640 : i32
    %mul3A_31 = arith.muli %arg1, %mul3A_30 : i32
    %add3A_32 = arith.addi %mul3A_29, %mul3A_31 : i32
    "tpu.region"() ({
      %run_scoped3A = tpu.sem_alloc : memref<!tpu.dma_semaphore, #tpu.memory_space<semaphore_mem>>
      %dma_start3A_33 = arith.constant 0 : i32
      %dma_start3A_34 = tpu.memref_slice %arg9[%add3A_32, %dma_start3A_33] : memref<20480x64xf32, #tpu.memory_space<hbm>> -> memref<640x64xf32, #tpu.memory_space<hbm>>
      %dma_start3A_35 = arith.constant 0 : i32
      %dma_start3A_36 = tpu.memref_slice %arg16[%mul3A_27, %dma_start3A_35] : memref<10240x64xf32, #tpu.memory_space<vmem_shared>> -> memref<640x64xf32, #tpu.memory_space<vmem_shared>>
      tpu.enqueue_dma source(%dma_start3A_36 : memref<640x64xf32, #tpu.memory_space<vmem_shared>>) target(%dma_start3A_34 : memref<640x64xf32, #tpu.memory_space<hbm>>) target_semaphore(%run_scoped3A : memref<!tpu.dma_semaphore, #tpu.memory_space<semaphore_mem>>)
      %dma_wait3A = arith.constant 0 : i32
      %dma_wait3A_37 = tpu.memref_slice %arg9[%add3A_32, %dma_wait3A] : memref<20480x64xf32, #tpu.memory_space<hbm>> -> memref<640x64xf32, #tpu.memory_space<hbm>>
      %dma_wait3A_38 = arith.constant 0 : i32
      %dma_wait3A_39 = tpu.memref_slice %arg16[%mul3A_27, %dma_wait3A_38] : memref<10240x64xf32, #tpu.memory_space<vmem_shared>> -> memref<640x64xf32, #tpu.memory_space<vmem_shared>>
      tpu.wait_dma2 semaphore(%run_scoped3A : memref<!tpu.dma_semaphore, #tpu.memory_space<semaphore_mem>>) src(%dma_wait3A_39 : memref<640x64xf32, #tpu.memory_space<vmem_shared>>) dst(%dma_wait3A_37 : memref<640x64xf32, #tpu.memory_space<hbm>>)
      tpu.yield
    }) : () -> ()
    "tpu.region"() ({
      %run_scoped3A = tpu.sem_alloc : memref<!tpu.dma_semaphore, #tpu.memory_space<semaphore_mem>>
      %dma_start3A_33 = arith.constant 0 : i32
      %dma_start3A_34 = tpu.memref_slice %arg10[%add3A_32, %dma_start3A_33] : memref<20480x2xf32, #tpu.memory_space<hbm>> -> memref<640x2xf32, #tpu.memory_space<hbm>>
      %dma_start3A_35 = arith.constant 0 : i32
      %dma_start3A_36 = tpu.memref_slice %arg17[%mul3A_27, %dma_start3A_35] : memref<10240x2xf32, #tpu.memory_space<vmem_shared>> -> memref<640x2xf32, #tpu.memory_space<vmem_shared>>
      tpu.enqueue_dma source(%dma_start3A_36 : memref<640x2xf32, #tpu.memory_space<vmem_shared>>) target(%dma_start3A_34 : memref<640x2xf32, #tpu.memory_space<hbm>>) target_semaphore(%run_scoped3A : memref<!tpu.dma_semaphore, #tpu.memory_space<semaphore_mem>>)
      %dma_wait3A = arith.constant 0 : i32
      %dma_wait3A_37 = tpu.memref_slice %arg10[%add3A_32, %dma_wait3A] : memref<20480x2xf32, #tpu.memory_space<hbm>> -> memref<640x2xf32, #tpu.memory_space<hbm>>
      %dma_wait3A_38 = arith.constant 0 : i32
      %dma_wait3A_39 = tpu.memref_slice %arg17[%mul3A_27, %dma_wait3A_38] : memref<10240x2xf32, #tpu.memory_space<vmem_shared>> -> memref<640x2xf32, #tpu.memory_space<vmem_shared>>
      tpu.wait_dma2 semaphore(%run_scoped3A : memref<!tpu.dma_semaphore, #tpu.memory_space<semaphore_mem>>) src(%dma_wait3A_39 : memref<640x2xf32, #tpu.memory_space<vmem_shared>>) dst(%dma_wait3A_37 : memref<640x2xf32, #tpu.memory_space<hbm>>)
      tpu.yield
    }) : () -> ()
    return
  }
}

#map = affine_map<(d0, d1) -> (0, 0)>
#map1 = affine_map<(d0, d1) -> (0)>
module attributes {stable_mosaic.version = 14 : i64} {
  func.func @k(%arg0: i32, %arg1: i32, %arg2: memref<10000x64xf32, #tpu.memory_space<hbm>>, %arg3: memref<320000xi32, #tpu.memory_space<hbm>>, %arg4: memref<320000xi32, #tpu.memory_space<hbm>>, %arg5: memref<640x64xf32, #tpu.memory_space<hbm>>, %arg6: memref<640x2xf32, #tpu.memory_space<hbm>>, %arg7: memref<2000x2xf32, #tpu.memory_space<hbm>>, %arg8: memref<640x2xf32, #tpu.memory_space<hbm>>, %arg9: memref<20480x64xf32, #tpu.memory_space<hbm>>, %arg10: memref<20480x2xf32, #tpu.memory_space<hbm>>, %arg11: memref<10000xi32, #tpu.memory_space<vmem>>, %arg12: memref<10000xi32, #tpu.memory_space<vmem>>, %arg13: memref<200x64xf32, #tpu.memory_space<vmem>>, %arg14: memref<200x64xf32, #tpu.memory_space<vmem>>, %arg15: memref<2000x2xf32, #tpu.memory_space<vmem>>, %arg16: memref<10240x64xf32, #tpu.memory_space<vmem_shared>>, %arg17: memref<10240x2xf32, #tpu.memory_space<vmem_shared>>, %arg18: memref<!tpu.dma_semaphore, #tpu.memory_space<semaphore_mem>>, %arg19: memref<!tpu.dma_semaphore, #tpu.memory_space<semaphore_mem>>) attributes {dimension_semantics = [#tpu.dimension_semantics<core_parallel>, #tpu.dimension_semantics<subcore_parallel>], iteration_bounds = array<i64: 2, 16>, scalar_prefetch = 0 : i64, scratch_operands = 9 : i64, tpu.core_type = #tpu.core_type<sc_vector_subcore>, window_params = [{transform_indices = #map}, {transform_indices = #map1}, {transform_indices = #map1}, {transform_indices = #map}, {transform_indices = #map}, {transform_indices = #map}, {transform_indices = #map}, {transform_indices = #map}, {transform_indices = #map}]} {
    %mul3A = arith.constant 16 : i32
    %mul3A_0 = arith.muli %arg0, %mul3A : i32
    %add3A = arith.addi %mul3A_0, %arg1 : i32
    %mul3A_1 = arith.constant 640 : i32
    %mul3A_2 = arith.muli %arg1, %mul3A_1 : i32
    "tpu.region"() ({
      %run_scoped3A = tpu.sem_alloc : memref<!tpu.dma_semaphore, #tpu.memory_space<semaphore_mem>>
      %dma_start3A_33 = arith.constant 0 : i32
      %dma_start3A_34 = tpu.memref_slice %arg16[%mul3A_2, %dma_start3A_33] : memref<10240x64xf32, #tpu.memory_space<vmem_shared>> -> memref<640x64xf32, #tpu.memory_space<vmem_shared>>
      tpu.enqueue_dma source(%arg5 : memref<640x64xf32, #tpu.memory_space<hbm>>) target(%dma_start3A_34 : memref<640x64xf32, #tpu.memory_space<vmem_shared>>) target_semaphore(%run_scoped3A : memref<!tpu.dma_semaphore, #tpu.memory_space<semaphore_mem>>)
      %dma_wait3A = arith.constant 0 : i32
      %dma_wait3A_35 = tpu.memref_slice %arg16[%mul3A_2, %dma_wait3A] : memref<10240x64xf32, #tpu.memory_space<vmem_shared>> -> memref<640x64xf32, #tpu.memory_space<vmem_shared>>
      tpu.wait_dma2 semaphore(%run_scoped3A : memref<!tpu.dma_semaphore, #tpu.memory_space<semaphore_mem>>) src(%arg5 : memref<640x64xf32, #tpu.memory_space<hbm>>) dst(%dma_wait3A_35 : memref<640x64xf32, #tpu.memory_space<vmem_shared>>)
      tpu.yield
    }) : () -> ()
    %mul3A_3 = arith.constant 640 : i32
    %mul3A_4 = arith.muli %arg1, %mul3A_3 : i32
    "tpu.region"() ({
      %run_scoped3A = tpu.sem_alloc : memref<!tpu.dma_semaphore, #tpu.memory_space<semaphore_mem>>
      %dma_start3A_33 = arith.constant 0 : i32
      %dma_start3A_34 = tpu.memref_slice %arg17[%mul3A_4, %dma_start3A_33] : memref<10240x2xf32, #tpu.memory_space<vmem_shared>> -> memref<640x2xf32, #tpu.memory_space<vmem_shared>>
      tpu.enqueue_dma source(%arg6 : memref<640x2xf32, #tpu.memory_space<hbm>>) target(%dma_start3A_34 : memref<640x2xf32, #tpu.memory_space<vmem_shared>>) target_semaphore(%run_scoped3A : memref<!tpu.dma_semaphore, #tpu.memory_space<semaphore_mem>>)
      %dma_wait3A = arith.constant 0 : i32
      %dma_wait3A_35 = tpu.memref_slice %arg17[%mul3A_4, %dma_wait3A] : memref<10240x2xf32, #tpu.memory_space<vmem_shared>> -> memref<640x2xf32, #tpu.memory_space<vmem_shared>>
      tpu.wait_dma2 semaphore(%run_scoped3A : memref<!tpu.dma_semaphore, #tpu.memory_space<semaphore_mem>>) src(%arg6 : memref<640x2xf32, #tpu.memory_space<hbm>>) dst(%dma_wait3A_35 : memref<640x2xf32, #tpu.memory_space<vmem_shared>>)
      tpu.yield
    }) : () -> ()
    "tpu.region"() ({
      %run_scoped3A = tpu.sem_alloc : memref<!tpu.dma_semaphore, #tpu.memory_space<semaphore_mem>>
      tpu.enqueue_dma source(%arg7 : memref<2000x2xf32, #tpu.memory_space<hbm>>) target(%arg15 : memref<2000x2xf32, #tpu.memory_space<vmem>>) target_semaphore(%run_scoped3A : memref<!tpu.dma_semaphore, #tpu.memory_space<semaphore_mem>>)
      tpu.wait_dma2 semaphore(%run_scoped3A : memref<!tpu.dma_semaphore, #tpu.memory_space<semaphore_mem>>) src(%arg7 : memref<2000x2xf32, #tpu.memory_space<hbm>>) dst(%arg15 : memref<2000x2xf32, #tpu.memory_space<vmem>>)
      tpu.yield
    }) : () -> ()
    %mul3A_5 = arith.constant 10000 : i32
    %mul3A_6 = arith.muli %add3A, %mul3A_5 : i32
    "tpu.region"() ({
      %run_scoped3A = tpu.sem_alloc : memref<!tpu.dma_semaphore, #tpu.memory_space<semaphore_mem>>
      %dma_start3A_33 = tpu.memref_slice %arg3[%mul3A_6] : memref<320000xi32, #tpu.memory_space<hbm>> -> memref<10000xi32, #tpu.memory_space<hbm>>
      %dma_start3A_34 = tpu.memref_slice %arg3[%mul3A_6] : memref<320000xi32, #tpu.memory_space<hbm>> -> memref<10000xi32, #tpu.memory_space<hbm>>
      tpu.enqueue_dma source(%dma_start3A_34 : memref<10000xi32, #tpu.memory_space<hbm>>) target(%arg11 : memref<10000xi32, #tpu.memory_space<vmem>>) target_semaphore(%run_scoped3A : memref<!tpu.dma_semaphore, #tpu.memory_space<semaphore_mem>>)
      %dma_wait3A = tpu.memref_slice %arg3[%mul3A_6] : memref<320000xi32, #tpu.memory_space<hbm>> -> memref<10000xi32, #tpu.memory_space<hbm>>
      %dma_wait3A_35 = tpu.memref_slice %arg3[%mul3A_6] : memref<320000xi32, #tpu.memory_space<hbm>> -> memref<10000xi32, #tpu.memory_space<hbm>>
      tpu.wait_dma2 semaphore(%run_scoped3A : memref<!tpu.dma_semaphore, #tpu.memory_space<semaphore_mem>>) src(%dma_wait3A_35 : memref<10000xi32, #tpu.memory_space<hbm>>) dst(%arg11 : memref<10000xi32, #tpu.memory_space<vmem>>)
      tpu.yield
    }) : () -> ()
    "tpu.region"() ({
      %run_scoped3A = tpu.sem_alloc : memref<!tpu.dma_semaphore, #tpu.memory_space<semaphore_mem>>
      %dma_start3A_33 = tpu.memref_slice %arg4[%mul3A_6] : memref<320000xi32, #tpu.memory_space<hbm>> -> memref<10000xi32, #tpu.memory_space<hbm>>
      %dma_start3A_34 = tpu.memref_slice %arg4[%mul3A_6] : memref<320000xi32, #tpu.memory_space<hbm>> -> memref<10000xi32, #tpu.memory_space<hbm>>
      tpu.enqueue_dma source(%dma_start3A_34 : memref<10000xi32, #tpu.memory_space<hbm>>) target(%arg12 : memref<10000xi32, #tpu.memory_space<vmem>>) target_semaphore(%run_scoped3A : memref<!tpu.dma_semaphore, #tpu.memory_space<semaphore_mem>>)
      %dma_wait3A = tpu.memref_slice %arg4[%mul3A_6] : memref<320000xi32, #tpu.memory_space<hbm>> -> memref<10000xi32, #tpu.memory_space<hbm>>
      %dma_wait3A_35 = tpu.memref_slice %arg4[%mul3A_6] : memref<320000xi32, #tpu.memory_space<hbm>> -> memref<10000xi32, #tpu.memory_space<hbm>>
      tpu.wait_dma2 semaphore(%run_scoped3A : memref<!tpu.dma_semaphore, #tpu.memory_space<semaphore_mem>>) src(%dma_wait3A_35 : memref<10000xi32, #tpu.memory_space<hbm>>) dst(%arg12 : memref<10000xi32, #tpu.memory_space<vmem>>)
      tpu.yield
    }) : () -> ()
    %barrier3A = arith.constant 0 : index
    tpu.barrier barrier_id(%barrier3A)
    %dma_start3A = arith.constant 0 : i32
    %dma_start3A_7 = tpu.memref_slice %arg11[%dma_start3A] : memref<10000xi32, #tpu.memory_space<vmem>> -> memref<200xi32, #tpu.memory_space<vmem>>
    %dma_start3A_8 = arith.constant 0 : i32
    %dma_start3A_9 = arith.constant 0 : i32
    %dma_start3A_10 = tpu.memref_slice %arg2[%dma_start3A_8, %dma_start3A_9] : memref<10000x64xf32, #tpu.memory_space<hbm>> -> memref<10000x64xf32, #tpu.memory_space<hbm>>
    tpu.enqueue_indirect_dma source(%dma_start3A_10 : memref<10000x64xf32, #tpu.memory_space<hbm>>) target(%arg13 : memref<200x64xf32, #tpu.memory_space<vmem>>) offsets(%dma_start3A_7 : memref<200xi32, #tpu.memory_space<vmem>>) semaphore(%arg18 : memref<!tpu.dma_semaphore, #tpu.memory_space<semaphore_mem>>)
    %dma_start3A_11 = arith.constant 200 : i32
    %dma_start3A_12 = tpu.memref_slice %arg11[%dma_start3A_11] : memref<10000xi32, #tpu.memory_space<vmem>> -> memref<200xi32, #tpu.memory_space<vmem>>
    %dma_start3A_13 = arith.constant 0 : i32
    %dma_start3A_14 = arith.constant 0 : i32
    %dma_start3A_15 = tpu.memref_slice %arg2[%dma_start3A_13, %dma_start3A_14] : memref<10000x64xf32, #tpu.memory_space<hbm>> -> memref<10000x64xf32, #tpu.memory_space<hbm>>
    tpu.enqueue_indirect_dma source(%dma_start3A_15 : memref<10000x64xf32, #tpu.memory_space<hbm>>) target(%arg14 : memref<200x64xf32, #tpu.memory_space<vmem>>) offsets(%dma_start3A_12 : memref<200xi32, #tpu.memory_space<vmem>>) semaphore(%arg19 : memref<!tpu.dma_semaphore, #tpu.memory_space<semaphore_mem>>)
    %scan3A = arith.constant 0 : i32
    %scan3A_16 = arith.constant 25 : i32
    %scan3A_17 = arith.addi %scan3A, %scan3A_16 : i32
    %scan3A_18 = arith.constant 1 : i32
    scf.for %scan3A_33 = %scan3A to %scan3A_17 step %scan3A_18  : i32 {
      %mul3A_34 = arith.constant 2 : i32
      %mul3A_35 = arith.muli %scan3A_33, %mul3A_34 : i32
      %add3A_36 = arith.constant 0 : i32
      %add3A_37 = arith.addi %add3A_36, %mul3A_35 : i32
      %add3A_38 = arith.constant 0 : i32
      %add3A_39 = arith.addi %add3A_37, %add3A_38 : i32
      %mul3A_40 = arith.constant 200 : i32
      %mul3A_41 = arith.muli %add3A_39, %mul3A_40 : i32
      %dma_wait3A = tpu.memref_slice %arg11[%mul3A_41] : memref<10000xi32, #tpu.memory_space<vmem>> -> memref<200xi32, #tpu.memory_space<vmem>>
      %dma_wait3A_42 = arith.constant 0 : i32
      %dma_wait3A_43 = arith.constant 0 : i32
      %dma_wait3A_44 = tpu.memref_slice %arg2[%dma_wait3A_42, %dma_wait3A_43] : memref<10000x64xf32, #tpu.memory_space<hbm>> -> memref<10000x64xf32, #tpu.memory_space<hbm>>
      tpu.wait_indirect_dma semaphore(%arg18 : memref<!tpu.dma_semaphore, #tpu.memory_space<semaphore_mem>>) src(%dma_wait3A_44 : memref<10000x64xf32, #tpu.memory_space<hbm>>) dst(%arg13 : memref<200x64xf32, #tpu.memory_space<vmem>>)
      %mul3A_45 = arith.constant 200 : i32
      %mul3A_46 = arith.muli %add3A_39, %mul3A_45 : i32
      "tpu.region"() ({
        %run_scoped3A = tpu.sem_alloc : memref<!tpu.dma_semaphore, #tpu.memory_space<semaphore_mem>>
        %dma_start3A_68 = tpu.memref_slice %arg12[%mul3A_46] : memref<10000xi32, #tpu.memory_space<vmem>> -> memref<200xi32, #tpu.memory_space<vmem>>
        %dma_start3A_69 = arith.constant 0 : i32
        %dma_start3A_70 = arith.constant 0 : i32
        %dma_start3A_71 = tpu.memref_slice %arg16[%dma_start3A_69, %dma_start3A_70] : memref<10240x64xf32, #tpu.memory_space<vmem_shared>> -> memref<10240x64xf32, #tpu.memory_space<vmem_shared>>
        tpu.enqueue_indirect_dma source(%arg13 : memref<200x64xf32, #tpu.memory_space<vmem>>) target(%dma_start3A_71 : memref<10240x64xf32, #tpu.memory_space<vmem_shared>>) offsets(%dma_start3A_68 : memref<200xi32, #tpu.memory_space<vmem>>) semaphore(%run_scoped3A : memref<!tpu.dma_semaphore, #tpu.memory_space<semaphore_mem>>) {add = true}
        %dma_wait3A_72 = tpu.memref_slice %arg12[%mul3A_46] : memref<10000xi32, #tpu.memory_space<vmem>> -> memref<200xi32, #tpu.memory_space<vmem>>
        %dma_wait3A_73 = arith.constant 0 : i32
        %dma_wait3A_74 = arith.constant 0 : i32
        %dma_wait3A_75 = tpu.memref_slice %arg16[%dma_wait3A_73, %dma_wait3A_74] : memref<10240x64xf32, #tpu.memory_space<vmem_shared>> -> memref<10240x64xf32, #tpu.memory_space<vmem_shared>>
        tpu.wait_indirect_dma semaphore(%run_scoped3A : memref<!tpu.dma_semaphore, #tpu.memory_space<semaphore_mem>>) src(%arg13 : memref<200x64xf32, #tpu.memory_space<vmem>>) dst(%dma_wait3A_75 : memref<10240x64xf32, #tpu.memory_space<vmem_shared>>)
        tpu.yield
      }) : () -> ()
      %add3A_47 = arith.constant 2 : i32
      %add3A_48 = arith.addi %add3A_39, %add3A_47 : i32
      %lt3A = arith.constant 50 : i32
      %lt3A_49 = arith.cmpi slt, %add3A_48, %lt3A : i32
      %convert_element_type3A = arith.extui %lt3A_49 : i1 to i32
      %cond3A = arith.constant 0 : i32
      %cond3A_50 = arith.cmpi ne, %convert_element_type3A, %cond3A : i32
      scf.if %cond3A_50 {
        %add3A_68 = arith.constant 2 : i32
        %add3A_69 = arith.addi %add3A_39, %add3A_68 : i32
        %mul3A_70 = arith.constant 200 : i32
        %mul3A_71 = arith.muli %add3A_69, %mul3A_70 : i32
        %dma_start3A_72 = tpu.memref_slice %arg11[%mul3A_71] : memref<10000xi32, #tpu.memory_space<vmem>> -> memref<200xi32, #tpu.memory_space<vmem>>
        %dma_start3A_73 = arith.constant 0 : i32
        %dma_start3A_74 = arith.constant 0 : i32
        %dma_start3A_75 = tpu.memref_slice %arg2[%dma_start3A_73, %dma_start3A_74] : memref<10000x64xf32, #tpu.memory_space<hbm>> -> memref<10000x64xf32, #tpu.memory_space<hbm>>
        tpu.enqueue_indirect_dma source(%dma_start3A_75 : memref<10000x64xf32, #tpu.memory_space<hbm>>) target(%arg13 : memref<200x64xf32, #tpu.memory_space<vmem>>) offsets(%dma_start3A_72 : memref<200xi32, #tpu.memory_space<vmem>>) semaphore(%arg18 : memref<!tpu.dma_semaphore, #tpu.memory_space<semaphore_mem>>)
      } else {
      }
      %add3A_51 = arith.constant 1 : i32
      %add3A_52 = arith.addi %add3A_37, %add3A_51 : i32
      %mul3A_53 = arith.constant 200 : i32
      %mul3A_54 = arith.muli %add3A_52, %mul3A_53 : i32
      %dma_wait3A_55 = tpu.memref_slice %arg11[%mul3A_54] : memref<10000xi32, #tpu.memory_space<vmem>> -> memref<200xi32, #tpu.memory_space<vmem>>
      %dma_wait3A_56 = arith.constant 0 : i32
      %dma_wait3A_57 = arith.constant 0 : i32
      %dma_wait3A_58 = tpu.memref_slice %arg2[%dma_wait3A_56, %dma_wait3A_57] : memref<10000x64xf32, #tpu.memory_space<hbm>> -> memref<10000x64xf32, #tpu.memory_space<hbm>>
      tpu.wait_indirect_dma semaphore(%arg19 : memref<!tpu.dma_semaphore, #tpu.memory_space<semaphore_mem>>) src(%dma_wait3A_58 : memref<10000x64xf32, #tpu.memory_space<hbm>>) dst(%arg14 : memref<200x64xf32, #tpu.memory_space<vmem>>)
      %mul3A_59 = arith.constant 200 : i32
      %mul3A_60 = arith.muli %add3A_52, %mul3A_59 : i32
      "tpu.region"() ({
        %run_scoped3A = tpu.sem_alloc : memref<!tpu.dma_semaphore, #tpu.memory_space<semaphore_mem>>
        %dma_start3A_68 = tpu.memref_slice %arg12[%mul3A_60] : memref<10000xi32, #tpu.memory_space<vmem>> -> memref<200xi32, #tpu.memory_space<vmem>>
        %dma_start3A_69 = arith.constant 0 : i32
        %dma_start3A_70 = arith.constant 0 : i32
        %dma_start3A_71 = tpu.memref_slice %arg16[%dma_start3A_69, %dma_start3A_70] : memref<10240x64xf32, #tpu.memory_space<vmem_shared>> -> memref<10240x64xf32, #tpu.memory_space<vmem_shared>>
        tpu.enqueue_indirect_dma source(%arg14 : memref<200x64xf32, #tpu.memory_space<vmem>>) target(%dma_start3A_71 : memref<10240x64xf32, #tpu.memory_space<vmem_shared>>) offsets(%dma_start3A_68 : memref<200xi32, #tpu.memory_space<vmem>>) semaphore(%run_scoped3A : memref<!tpu.dma_semaphore, #tpu.memory_space<semaphore_mem>>) {add = true}
        %dma_wait3A_72 = tpu.memref_slice %arg12[%mul3A_60] : memref<10000xi32, #tpu.memory_space<vmem>> -> memref<200xi32, #tpu.memory_space<vmem>>
        %dma_wait3A_73 = arith.constant 0 : i32
        %dma_wait3A_74 = arith.constant 0 : i32
        %dma_wait3A_75 = tpu.memref_slice %arg16[%dma_wait3A_73, %dma_wait3A_74] : memref<10240x64xf32, #tpu.memory_space<vmem_shared>> -> memref<10240x64xf32, #tpu.memory_space<vmem_shared>>
        tpu.wait_indirect_dma semaphore(%run_scoped3A : memref<!tpu.dma_semaphore, #tpu.memory_space<semaphore_mem>>) src(%arg14 : memref<200x64xf32, #tpu.memory_space<vmem>>) dst(%dma_wait3A_75 : memref<10240x64xf32, #tpu.memory_space<vmem_shared>>)
        tpu.yield
      }) : () -> ()
      %add3A_61 = arith.constant 2 : i32
      %add3A_62 = arith.addi %add3A_52, %add3A_61 : i32
      %lt3A_63 = arith.constant 50 : i32
      %lt3A_64 = arith.cmpi slt, %add3A_62, %lt3A_63 : i32
      %convert_element_type3A_65 = arith.extui %lt3A_64 : i1 to i32
      %cond3A_66 = arith.constant 0 : i32
      %cond3A_67 = arith.cmpi ne, %convert_element_type3A_65, %cond3A_66 : i32
      scf.if %cond3A_67 {
        %add3A_68 = arith.constant 2 : i32
        %add3A_69 = arith.addi %add3A_52, %add3A_68 : i32
        %mul3A_70 = arith.constant 200 : i32
        %mul3A_71 = arith.muli %add3A_69, %mul3A_70 : i32
        %dma_start3A_72 = tpu.memref_slice %arg11[%mul3A_71] : memref<10000xi32, #tpu.memory_space<vmem>> -> memref<200xi32, #tpu.memory_space<vmem>>
        %dma_start3A_73 = arith.constant 0 : i32
        %dma_start3A_74 = arith.constant 0 : i32
        %dma_start3A_75 = tpu.memref_slice %arg2[%dma_start3A_73, %dma_start3A_74] : memref<10000x64xf32, #tpu.memory_space<hbm>> -> memref<10000x64xf32, #tpu.memory_space<hbm>>
        tpu.enqueue_indirect_dma source(%dma_start3A_75 : memref<10000x64xf32, #tpu.memory_space<hbm>>) target(%arg14 : memref<200x64xf32, #tpu.memory_space<vmem>>) offsets(%dma_start3A_72 : memref<200xi32, #tpu.memory_space<vmem>>) semaphore(%arg19 : memref<!tpu.dma_semaphore, #tpu.memory_space<semaphore_mem>>)
      } else {
      }
    }
    %scan3A_19 = arith.constant 25 : i32
    %scan3A_20 = arith.constant 0 : i32
    %scan3A_21 = arith.constant 5 : i32
    %scan3A_22 = arith.addi %scan3A_20, %scan3A_21 : i32
    %scan3A_23 = arith.constant 1 : i32
    scf.for %scan3A_33 = %scan3A_20 to %scan3A_22 step %scan3A_23  : i32 {
      %mul3A_34 = arith.constant 1 : i32
      %mul3A_35 = arith.muli %scan3A_33, %mul3A_34 : i32
      %add3A_36 = arith.constant 0 : i32
      %add3A_37 = arith.addi %add3A_36, %mul3A_35 : i32
      %mul3A_38 = arith.constant 2000 : i32
      %mul3A_39 = arith.muli %add3A_37, %mul3A_38 : i32
      "tpu.region"() ({
        %run_scoped3A = tpu.sem_alloc : memref<!tpu.dma_semaphore, #tpu.memory_space<semaphore_mem>>
        %dma_start3A_40 = tpu.memref_slice %arg11[%mul3A_39] : memref<10000xi32, #tpu.memory_space<vmem>> -> memref<2000xi32, #tpu.memory_space<vmem>>
        %dma_start3A_41 = arith.constant 0 : i32
        %dma_start3A_42 = arith.constant 0 : i32
        %dma_start3A_43 = tpu.memref_slice %arg17[%dma_start3A_41, %dma_start3A_42] : memref<10240x2xf32, #tpu.memory_space<vmem_shared>> -> memref<10240x2xf32, #tpu.memory_space<vmem_shared>>
        tpu.enqueue_indirect_dma source(%arg15 : memref<2000x2xf32, #tpu.memory_space<vmem>>) target(%dma_start3A_43 : memref<10240x2xf32, #tpu.memory_space<vmem_shared>>) offsets(%dma_start3A_40 : memref<2000xi32, #tpu.memory_space<vmem>>) semaphore(%run_scoped3A : memref<!tpu.dma_semaphore, #tpu.memory_space<semaphore_mem>>) {add = true}
        %dma_wait3A = tpu.memref_slice %arg11[%mul3A_39] : memref<10000xi32, #tpu.memory_space<vmem>> -> memref<2000xi32, #tpu.memory_space<vmem>>
        %dma_wait3A_44 = arith.constant 0 : i32
        %dma_wait3A_45 = arith.constant 0 : i32
        %dma_wait3A_46 = tpu.memref_slice %arg17[%dma_wait3A_44, %dma_wait3A_45] : memref<10240x2xf32, #tpu.memory_space<vmem_shared>> -> memref<10240x2xf32, #tpu.memory_space<vmem_shared>>
        tpu.wait_indirect_dma semaphore(%run_scoped3A : memref<!tpu.dma_semaphore, #tpu.memory_space<semaphore_mem>>) src(%arg15 : memref<2000x2xf32, #tpu.memory_space<vmem>>) dst(%dma_wait3A_46 : memref<10240x2xf32, #tpu.memory_space<vmem_shared>>)
        tpu.yield
      }) : () -> ()
    }
    %scan3A_24 = arith.constant 5 : i32
    %barrier3A_25 = arith.constant 0 : index
    tpu.barrier barrier_id(%barrier3A_25)
    %mul3A_26 = arith.constant 640 : i32
    %mul3A_27 = arith.muli %arg1, %mul3A_26 : i32
    %mul3A_28 = arith.constant 10240 : i32
    %mul3A_29 = arith.muli %arg0, %mul3A_28 : i32
    %mul3A_30 = arith.constant 640 : i32
    %mul3A_31 = arith.muli %arg1, %mul3A_30 : i32
    %add3A_32 = arith.addi %mul3A_29, %mul3A_31 : i32
    "tpu.region"() ({
      %run_scoped3A = tpu.sem_alloc : memref<!tpu.dma_semaphore, #tpu.memory_space<semaphore_mem>>
      %dma_start3A_33 = arith.constant 0 : i32
      %dma_start3A_34 = tpu.memref_slice %arg9[%add3A_32, %dma_start3A_33] : memref<20480x64xf32, #tpu.memory_space<hbm>> -> memref<640x64xf32, #tpu.memory_space<hbm>>
      %dma_start3A_35 = arith.constant 0 : i32
      %dma_start3A_36 = tpu.memref_slice %arg16[%mul3A_27, %dma_start3A_35] : memref<10240x64xf32, #tpu.memory_space<vmem_shared>> -> memref<640x64xf32, #tpu.memory_space<vmem_shared>>
      tpu.enqueue_dma source(%dma_start3A_36 : memref<640x64xf32, #tpu.memory_space<vmem_shared>>) target(%dma_start3A_34 : memref<640x64xf32, #tpu.memory_space<hbm>>) target_semaphore(%run_scoped3A : memref<!tpu.dma_semaphore, #tpu.memory_space<semaphore_mem>>)
      %dma_wait3A = arith.constant 0 : i32
      %dma_wait3A_37 = tpu.memref_slice %arg9[%add3A_32, %dma_wait3A] : memref<20480x64xf32, #tpu.memory_space<hbm>> -> memref<640x64xf32, #tpu.memory_space<hbm>>
      %dma_wait3A_38 = arith.constant 0 : i32
      %dma_wait3A_39 = tpu.memref_slice %arg16[%mul3A_27, %dma_wait3A_38] : memref<10240x64xf32, #tpu.memory_space<vmem_shared>> -> memref<640x64xf32, #tpu.memory_space<vmem_shared>>
      tpu.wait_dma2 semaphore(%run_scoped3A : memref<!tpu.dma_semaphore, #tpu.memory_space<semaphore_mem>>) src(%dma_wait3A_39 : memref<640x64xf32, #tpu.memory_space<vmem_shared>>) dst(%dma_wait3A_37 : memref<640x64xf32, #tpu.memory_space<hbm>>)
      tpu.yield
    }) : () -> ()
    "tpu.region"() ({
      %run_scoped3A = tpu.sem_alloc : memref<!tpu.dma_semaphore, #tpu.memory_space<semaphore_mem>>
      %dma_start3A_33 = arith.constant 0 : i32
      %dma_start3A_34 = tpu.memref_slice %arg10[%add3A_32, %dma_start3A_33] : memref<20480x2xf32, #tpu.memory_space<hbm>> -> memref<640x2xf32, #tpu.memory_space<hbm>>
      %dma_start3A_35 = arith.constant 0 : i32
      %dma_start3A_36 = tpu.memref_slice %arg17[%mul3A_27, %dma_start3A_35] : memref<10240x2xf32, #tpu.memory_space<vmem_shared>> -> memref<640x2xf32, #tpu.memory_space<vmem_shared>>
      tpu.enqueue_dma source(%dma_start3A_36 : memref<640x2xf32, #tpu.memory_space<vmem_shared>>) target(%dma_start3A_34 : memref<640x2xf32, #tpu.memory_space<hbm>>) target_semaphore(%run_scoped3A : memref<!tpu.dma_semaphore, #tpu.memory_space<semaphore_mem>>)
      %dma_wait3A = arith.constant 0 : i32
      %dma_wait3A_37 = tpu.memref_slice %arg10[%add3A_32, %dma_wait3A] : memref<20480x2xf32, #tpu.memory_space<hbm>> -> memref<640x2xf32, #tpu.memory_space<hbm>>
      %dma_wait3A_38 = arith.constant 0 : i32
      %dma_wait3A_39 = tpu.memref_slice %arg17[%mul3A_27, %dma_wait3A_38] : memref<10240x2xf32, #tpu.memory_space<vmem_shared>> -> memref<640x2xf32, #tpu.memory_space<vmem_shared>>
      tpu.wait_dma2 semaphore(%run_scoped3A : memref<!tpu.dma_semaphore, #tpu.memory_space<semaphore_mem>>) src(%dma_wait3A_39 : memref<640x2xf32, #tpu.memory_space<vmem_shared>>) dst(%dma_wait3A_37 : memref<640x2xf32, #tpu.memory_space<hbm>>)
      tpu.yield
    }) : () -> ()
    return
  }
}

module attributes {stable_mosaic.version = 14 : i64} {
  func.func @body(%arg0: i32, %arg1: memref<1000x256xf32, #tpu.memory_space<vmem>>, %arg2: memref<256x128xf32, #tpu.memory_space<vmem>>, %arg3: memref<1x128xf32, #tpu.memory_space<vmem>>, %arg4: memref<2x320000xi32, #tpu.memory_space<vmem>>, %arg5: memref<1000x128xf32, #tpu.memory_space<vmem>>, %arg6: memref<320000xi32, #tpu.memory_space<vmem>>, %arg7: memref<320000xi32, #tpu.memory_space<vmem>>) attributes {dimension_semantics = [#tpu.dimension_semantics<arbitrary>], iteration_bounds = array<i64: 5>, scalar_prefetch = 0 : i64, scratch_operands = 0 : i64, tpu.core_type = #tpu.core_type<tc>, window_params = [{transform_indices = @transform_0, window_bounds = array<i64: 1000, 256>}, {pipeline_mode = #tpu.pipeline_mode<synchronous>, transform_indices = @transform_1, window_bounds = array<i64: 256, 128>}, {pipeline_mode = #tpu.pipeline_mode<synchronous>, transform_indices = @transform_2, window_bounds = array<i64: 1, 128>}, {pipeline_mode = #tpu.pipeline_mode<synchronous>, transform_indices = @transform_3, window_bounds = array<i64: 2, 320000>}, {transform_indices = @transform_4, window_bounds = array<i64: 1000, 128>}, {pipeline_mode = #tpu.pipeline_mode<synchronous>, transform_indices = @transform_5, window_bounds = array<i64: 320000>}, {pipeline_mode = #tpu.pipeline_mode<synchronous>, transform_indices = @transform_6, window_bounds = array<i64: 320000>}]} {
    %get3A = arith.constant 0 : index
    %get3A_0 = arith.constant 0 : index
    %get3A_1 = vector.load %arg1[%get3A, %get3A_0] : memref<1000x256xf32, #tpu.memory_space<vmem>>, vector<1000x256xf32>
    %get3A_2 = arith.constant 0 : index
    %get3A_3 = arith.constant 0 : index
    %get3A_4 = vector.load %arg2[%get3A_2, %get3A_3] : memref<256x128xf32, #tpu.memory_space<vmem>>, vector<256x128xf32>
    %dot_general3A = arith.constant dense<0.000000e+00> : vector<1000x128xf32>
    %dot_general3A_5 = tpu.matmul %get3A_1, %get3A_4, %dot_general3A {dimension_numbers = #tpu.dot_dimension_numbers<[1], [0], [0], [1], [0, 0, 1, 1], [], []>, transpose_lhs_hint = false} : vector<1000x256xf32>, vector<256x128xf32>, vector<1000x128xf32> -> vector<1000x128xf32>
    %get3A_6 = arith.constant 0 : index
    %get3A_7 = arith.constant 0 : index
    %get3A_8 = vector.load %arg3[%get3A_6, %get3A_7] : memref<1x128xf32, #tpu.memory_space<vmem>>, vector<1x128xf32>
    %add3A = vector.broadcast %get3A_8 : vector<1x128xf32> to vector<1000x128xf32>
    %add3A_9 = arith.addf %dot_general3A_5, %add3A : vector<1000x128xf32>
    %max3A = arith.constant 0.000000e+00 : f32
    %max3A_10 = vector.broadcast %max3A : f32 to vector<1000x128xf32>
    %max3A_11 = arith.maximumf %add3A_9, %max3A_10 : vector<1000x128xf32>
    %swap3A = arith.constant 0 : index
    %swap3A_12 = arith.constant 0 : index
    %swap3A_13 = vector.load %arg5[%swap3A, %swap3A_12] : memref<1000x128xf32, #tpu.memory_space<vmem>>, vector<1000x128xf32>
    tpu.vector_store %arg5[%swap3A, %swap3A_12], %max3A_11 {strides = array<i32>} : memref<1000x128xf32, #tpu.memory_space<vmem>>, vector<1000x128xf32>,
    %eq3A = arith.constant 0 : i32
    %eq3A_14 = arith.cmpi eq, %arg0, %eq3A : i32
    %convert_element_type3A = arith.extui %eq3A_14 : i1 to i32
    %cond3A = arith.constant 0 : i32
    %cond3A_15 = arith.cmpi ne, %convert_element_type3A, %cond3A : i32
    scf.if %cond3A_15 {
      %get3A_16 = arith.constant 0 : index
      %get3A_17 = arith.constant 0 : index
      %get3A_18 = vector.load %arg4[%get3A_16, %get3A_17] : memref<2x320000xi32, #tpu.memory_space<vmem>>, vector<1x320000xi32>
      %get3A_19 = vector.shape_cast %get3A_18 : vector<1x320000xi32> to vector<320000xi32>
      %swap3A_20 = arith.constant 0 : index
      %swap3A_21 = vector.load %arg6[%swap3A_20] : memref<320000xi32, #tpu.memory_space<vmem>>, vector<320000xi32>
      tpu.vector_store %arg6[%swap3A_20], %get3A_19 {strides = array<i32>} : memref<320000xi32, #tpu.memory_space<vmem>>, vector<320000xi32>,
      %get3A_22 = arith.constant 1 : index
      %get3A_23 = arith.constant 0 : index
      %get3A_24 = vector.load %arg4[%get3A_22, %get3A_23] : memref<2x320000xi32, #tpu.memory_space<vmem>>, vector<1x320000xi32>
      %get3A_25 = vector.shape_cast %get3A_24 : vector<1x320000xi32> to vector<320000xi32>
      %swap3A_26 = arith.constant 0 : index
      %swap3A_27 = vector.load %arg7[%swap3A_26] : memref<320000xi32, #tpu.memory_space<vmem>>, vector<320000xi32>
      tpu.vector_store %arg7[%swap3A_26], %get3A_25 {strides = array<i32>} : memref<320000xi32, #tpu.memory_space<vmem>>, vector<320000xi32>,
    } else {
    }
    return
  }
  func.func @transform_0(%arg0: i32) -> (i32, i32) {
    %c0_i32 = arith.constant 0 : i32
    %c0_i32_0 = arith.constant 0 : i32
    return %arg0, %c0_i32 : i32, i32
  }
  func.func @transform_1(%arg0: i32) -> (i32, i32) {
    %c0_i32 = arith.constant 0 : i32
    %c0_i32_0 = arith.constant 0 : i32
    %c0_i32_1 = arith.constant 0 : i32
    return %c0_i32, %c0_i32_0 : i32, i32
  }
  func.func @transform_2(%arg0: i32) -> (i32, i32) {
    %c0_i32 = arith.constant 0 : i32
    %c0_i32_0 = arith.constant 0 : i32
    %c0_i32_1 = arith.constant 0 : i32
    return %c0_i32, %c0_i32_0 : i32, i32
  }
  func.func @transform_3(%arg0: i32) -> (i32, i32) {
    %c0_i32 = arith.constant 0 : i32
    %c0_i32_0 = arith.constant 0 : i32
    %c0_i32_1 = arith.constant 0 : i32
    return %c0_i32, %c0_i32_0 : i32, i32
  }
  func.func @transform_4(%arg0: i32) -> (i32, i32) {
    %c0_i32 = arith.constant 0 : i32
    %c0_i32_0 = arith.constant 0 : i32
    return %arg0, %c0_i32 : i32, i32
  }
  func.func @transform_5(%arg0: i32) -> i32 {
    %c0_i32 = arith.constant 0 : i32
    %c0_i32_0 = arith.constant 0 : i32
    return %c0_i32 : i32
  }
  func.func @transform_6(%arg0: i32) -> i32 {
    %c0_i32 = arith.constant 0 : i32
    %c0_i32_0 = arith.constant 0 : i32
    return %c0_i32 : i32
  }
}

module attributes {stable_mosaic.version = 14 : i64} {
  func.func @body(%arg0: i32, %arg1: memref<1280x128xf32, #tpu.memory_space<vmem>>, %arg2: memref<1280x128xf32, #tpu.memory_space<vmem>>, %arg3: memref<1280x4xf32, #tpu.memory_space<vmem>>, %arg4: memref<1280x4xf32, #tpu.memory_space<vmem>>, %arg5: memref<1280x128xf32, #tpu.memory_space<vmem>>, %arg6: memref<1280x128xf32, #tpu.memory_space<vmem>>, %arg7: memref<1280x4xf32, #tpu.memory_space<vmem>>, %arg8: memref<1280x4xf32, #tpu.memory_space<vmem>>, %arg9: memref<128x64xf32, #tpu.memory_space<vmem>>, %arg10: memref<128x64xf32, #tpu.memory_space<vmem>>, %arg11: memref<1x64xf32, #tpu.memory_space<vmem>>, %arg12: memref<1x64xf32, #tpu.memory_space<vmem>>, %arg13: memref<64x16xf32, #tpu.memory_space<vmem>>, %arg14: memref<1x16xf32, #tpu.memory_space<vmem>>, %arg15: memref<16x1xf32, #tpu.memory_space<vmem>>, %arg16: memref<1x1xf32, #tpu.memory_space<vmem>>, %arg17: memref<1x1xf32, #tpu.memory_space<vmem>>, %arg18: memref<1x32xf32, #tpu.memory_space<vmem>>, %arg19: memref<1x32xf32, #tpu.memory_space<vmem>>) attributes {dimension_semantics = [#tpu.dimension_semantics<arbitrary>], iteration_bounds = array<i64: 4>, scalar_prefetch = 0 : i64, scratch_operands = 2 : i64, tpu.core_type = #tpu.core_type<tc>, window_params = [{transform_indices = @transform_0, window_bounds = array<i64: 1280, 128>}, {transform_indices = @transform_1, window_bounds = array<i64: 1280, 128>}, {transform_indices = @transform_2, window_bounds = array<i64: 1280, 4>}, {transform_indices = @transform_3, window_bounds = array<i64: 1280, 4>}, {transform_indices = @transform_4, window_bounds = array<i64: 1280, 128>}, {transform_indices = @transform_5, window_bounds = array<i64: 1280, 128>}, {transform_indices = @transform_6, window_bounds = array<i64: 1280, 4>}, {transform_indices = @transform_7, window_bounds = array<i64: 1280, 4>}, {pipeline_mode = #tpu.pipeline_mode<synchronous>, transform_indices = @transform_8, window_bounds = array<i64: 128, 64>}, {pipeline_mode = #tpu.pipeline_mode<synchronous>, transform_indices = @transform_9, window_bounds = array<i64: 128, 64>}, {pipeline_mode = #tpu.pipeline_mode<synchronous>, transform_indices = @transform_10, window_bounds = array<i64: 1, 64>}, {pipeline_mode = #tpu.pipeline_mode<synchronous>, transform_indices = @transform_11, window_bounds = array<i64: 1, 64>}, {pipeline_mode = #tpu.pipeline_mode<synchronous>, transform_indices = @transform_12, window_bounds = array<i64: 64, 16>}, {pipeline_mode = #tpu.pipeline_mode<synchronous>, transform_indices = @transform_13, window_bounds = array<i64: 1, 16>}, {pipeline_mode = #tpu.pipeline_mode<synchronous>, transform_indices = @transform_14, window_bounds = array<i64: 16, 1>}, {pipeline_mode = #tpu.pipeline_mode<synchronous>, transform_indices = @transform_15, window_bounds = array<i64: 1, 1>}, {pipeline_mode = #tpu.pipeline_mode<synchronous>, transform_indices = @transform_16, window_bounds = array<i64: 1, 1>}]} {
    %get3A = arith.constant 0 : index
    %get3A_0 = arith.constant 0 : index
    %get3A_1 = vector.load %arg1[%get3A, %get3A_0] : memref<1280x128xf32, #tpu.memory_space<vmem>>, vector<1280x128xf32>
    %get3A_2 = arith.constant 0 : index
    %get3A_3 = arith.constant 0 : index
    %get3A_4 = vector.load %arg2[%get3A_2, %get3A_3] : memref<1280x128xf32, #tpu.memory_space<vmem>>, vector<1280x128xf32>
    %add3A = arith.addf %get3A_1, %get3A_4 : vector<1280x128xf32>
    %get3A_5 = arith.constant 0 : index
    %get3A_6 = arith.constant 0 : index
    %get3A_7 = vector.load %arg9[%get3A_5, %get3A_6] : memref<128x64xf32, #tpu.memory_space<vmem>>, vector<128x64xf32>
    %dot_general3A = arith.constant dense<0.000000e+00> : vector<1280x64xf32>
    %dot_general3A_8 = tpu.matmul %add3A, %get3A_7, %dot_general3A {dimension_numbers = #tpu.dot_dimension_numbers<[1], [0], [0], [1], [0, 0, 1, 1], [], []>, transpose_lhs_hint = false} : vector<1280x128xf32>, vector<128x64xf32>, vector<1280x64xf32> -> vector<1280x64xf32>
    %get3A_9 = arith.constant 0 : index
    %get3A_10 = arith.constant 0 : index
    %get3A_11 = vector.load %arg11[%get3A_9, %get3A_10] : memref<1x64xf32, #tpu.memory_space<vmem>>, vector<1x64xf32>
    %add3A_12 = vector.broadcast %get3A_11 : vector<1x64xf32> to vector<1280x64xf32>
    %add3A_13 = arith.addf %dot_general3A_8, %add3A_12 : vector<1280x64xf32>
    %max3A = arith.constant 0.000000e+00 : f32
    %max3A_14 = vector.broadcast %max3A : f32 to vector<1280x64xf32>
    %max3A_15 = arith.maximumf %add3A_13, %max3A_14 : vector<1280x64xf32>
    %get3A_16 = arith.constant 0 : index
    %get3A_17 = arith.constant 0 : index
    %get3A_18 = vector.load %arg3[%get3A_16, %get3A_17] : memref<1280x4xf32, #tpu.memory_space<vmem>>, vector<1280x1xf32>
    %get3A_19 = arith.constant 0 : index
    %get3A_20 = arith.constant 0 : index
    %get3A_21 = vector.load %arg4[%get3A_19, %get3A_20] : memref<1280x4xf32, #tpu.memory_space<vmem>>, vector<1280x1xf32>
    %add3A_22 = arith.addf %get3A_18, %get3A_21 : vector<1280x1xf32>
    %get3A_23 = arith.constant 0 : index
    %get3A_24 = arith.constant 2 : index
    %get3A_25 = vector.load %arg3[%get3A_23, %get3A_24] : memref<1280x4xf32, #tpu.memory_space<vmem>>, vector<1280x1xf32>
    %get3A_26 = arith.constant 0 : index
    %get3A_27 = arith.constant 2 : index
    %get3A_28 = vector.load %arg4[%get3A_26, %get3A_27] : memref<1280x4xf32, #tpu.memory_space<vmem>>, vector<1280x1xf32>
    %add3A_29 = arith.addf %get3A_25, %get3A_28 : vector<1280x1xf32>
    %slice3A = vector.extract_strided_slice %max3A_15 {offsets = [0, 0], sizes = [1280, 32], strides = [1, 1]} : vector<1280x64xf32> to vector<1280x32xf32>
    %mul3A = vector.broadcast %add3A_22 : vector<1280x1xf32> to vector<1280x32xf32>
    %mul3A_30 = arith.mulf %slice3A, %mul3A : vector<1280x32xf32>
    %reduce_sum3A = arith.constant dense<0.000000e+00> : vector<32xf32>
    %reduce_sum3A_31 = vector.multi_reduction <add>, %mul3A_30, %reduce_sum3A [0] : vector<1280x32xf32> to vector<32xf32>
    %broadcast_in_dim3A = vector.shape_cast %reduce_sum3A_31 : vector<32xf32> to vector<1x32xf32>
    %slice3A_32 = vector.extract_strided_slice %max3A_15 {offsets = [0, 32], sizes = [1280, 32], strides = [1, 1]} : vector<1280x64xf32> to vector<1280x32xf32>
    %mul3A_33 = vector.broadcast %add3A_29 : vector<1280x1xf32> to vector<1280x32xf32>
    %mul3A_34 = arith.mulf %slice3A_32, %mul3A_33 : vector<1280x32xf32>
    %reduce_sum3A_35 = arith.constant dense<0.000000e+00> : vector<32xf32>
    %reduce_sum3A_36 = vector.multi_reduction <add>, %mul3A_34, %reduce_sum3A_35 [0] : vector<1280x32xf32> to vector<32xf32>
    %broadcast_in_dim3A_37 = vector.shape_cast %reduce_sum3A_36 : vector<32xf32> to vector<1x32xf32>
    %add3A_38 = arith.addf %broadcast_in_dim3A, %broadcast_in_dim3A_37 : vector<1x32xf32>
    %get3A_39 = arith.constant 0 : index
    %get3A_40 = arith.constant 0 : index
    %get3A_41 = vector.load %arg5[%get3A_39, %get3A_40] : memref<1280x128xf32, #tpu.memory_space<vmem>>, vector<1280x128xf32>
    %get3A_42 = arith.constant 0 : index
    %get3A_43 = arith.constant 0 : index
    %get3A_44 = vector.load %arg6[%get3A_42, %get3A_43] : memref<1280x128xf32, #tpu.memory_space<vmem>>, vector<1280x128xf32>
    %add3A_45 = arith.addf %get3A_41, %get3A_44 : vector<1280x128xf32>
    %get3A_46 = arith.constant 0 : index
    %get3A_47 = arith.constant 0 : index
    %get3A_48 = vector.load %arg10[%get3A_46, %get3A_47] : memref<128x64xf32, #tpu.memory_space<vmem>>, vector<128x64xf32>
    %dot_general3A_49 = arith.constant dense<0.000000e+00> : vector<1280x64xf32>
    %dot_general3A_50 = tpu.matmul %add3A_45, %get3A_48, %dot_general3A_49 {dimension_numbers = #tpu.dot_dimension_numbers<[1], [0], [0], [1], [0, 0, 1, 1], [], []>, transpose_lhs_hint = false} : vector<1280x128xf32>, vector<128x64xf32>, vector<1280x64xf32> -> vector<1280x64xf32>
    %get3A_51 = arith.constant 0 : index
    %get3A_52 = arith.constant 0 : index
    %get3A_53 = vector.load %arg12[%get3A_51, %get3A_52] : memref<1x64xf32, #tpu.memory_space<vmem>>, vector<1x64xf32>
    %add3A_54 = vector.broadcast %get3A_53 : vector<1x64xf32> to vector<1280x64xf32>
    %add3A_55 = arith.addf %dot_general3A_50, %add3A_54 : vector<1280x64xf32>
    %max3A_56 = arith.constant 0.000000e+00 : f32
    %max3A_57 = vector.broadcast %max3A_56 : f32 to vector<1280x64xf32>
    %max3A_58 = arith.maximumf %add3A_55, %max3A_57 : vector<1280x64xf32>
    %get3A_59 = arith.constant 0 : index
    %get3A_60 = arith.constant 0 : index
    %get3A_61 = vector.load %arg7[%get3A_59, %get3A_60] : memref<1280x4xf32, #tpu.memory_space<vmem>>, vector<1280x1xf32>
    %get3A_62 = arith.constant 0 : index
    %get3A_63 = arith.constant 0 : index
    %get3A_64 = vector.load %arg8[%get3A_62, %get3A_63] : memref<1280x4xf32, #tpu.memory_space<vmem>>, vector<1280x1xf32>
    %add3A_65 = arith.addf %get3A_61, %get3A_64 : vector<1280x1xf32>
    %get3A_66 = arith.constant 0 : index
    %get3A_67 = arith.constant 2 : index
    %get3A_68 = vector.load %arg7[%get3A_66, %get3A_67] : memref<1280x4xf32, #tpu.memory_space<vmem>>, vector<1280x1xf32>
    %get3A_69 = arith.constant 0 : index
    %get3A_70 = arith.constant 2 : index
    %get3A_71 = vector.load %arg8[%get3A_69, %get3A_70] : memref<1280x4xf32, #tpu.memory_space<vmem>>, vector<1280x1xf32>
    %add3A_72 = arith.addf %get3A_68, %get3A_71 : vector<1280x1xf32>
    %slice3A_73 = vector.extract_strided_slice %max3A_58 {offsets = [0, 0], sizes = [1280, 32], strides = [1, 1]} : vector<1280x64xf32> to vector<1280x32xf32>
    %mul3A_74 = vector.broadcast %add3A_65 : vector<1280x1xf32> to vector<1280x32xf32>
    %mul3A_75 = arith.mulf %slice3A_73, %mul3A_74 : vector<1280x32xf32>
    %reduce_sum3A_76 = arith.constant dense<0.000000e+00> : vector<32xf32>
    %reduce_sum3A_77 = vector.multi_reduction <add>, %mul3A_75, %reduce_sum3A_76 [0] : vector<1280x32xf32> to vector<32xf32>
    %broadcast_in_dim3A_78 = vector.shape_cast %reduce_sum3A_77 : vector<32xf32> to vector<1x32xf32>
    %slice3A_79 = vector.extract_strided_slice %max3A_58 {offsets = [0, 32], sizes = [1280, 32], strides = [1, 1]} : vector<1280x64xf32> to vector<1280x32xf32>
    %mul3A_80 = vector.broadcast %add3A_72 : vector<1280x1xf32> to vector<1280x32xf32>
    %mul3A_81 = arith.mulf %slice3A_79, %mul3A_80 : vector<1280x32xf32>
    %reduce_sum3A_82 = arith.constant dense<0.000000e+00> : vector<32xf32>
    %reduce_sum3A_83 = vector.multi_reduction <add>, %mul3A_81, %reduce_sum3A_82 [0] : vector<1280x32xf32> to vector<32xf32>
    %broadcast_in_dim3A_84 = vector.shape_cast %reduce_sum3A_83 : vector<32xf32> to vector<1x32xf32>
    %add3A_85 = arith.addf %broadcast_in_dim3A_78, %broadcast_in_dim3A_84 : vector<1x32xf32>
    %eq3A = arith.constant 0 : i32
    %eq3A_86 = arith.cmpi eq, %arg0, %eq3A : i32
    %convert_element_type3A = arith.extui %eq3A_86 : i1 to i32
    %cond3A = arith.constant 0 : i32
    %cond3A_87 = arith.cmpi ne, %convert_element_type3A, %cond3A : i32
    scf.if %cond3A_87 {
      %swap3A = arith.constant 0 : index
      %swap3A_97 = arith.constant 0 : index
      %swap3A_98 = vector.load %arg18[%swap3A, %swap3A_97] : memref<1x32xf32, #tpu.memory_space<vmem>>, vector<1x32xf32>
      tpu.vector_store %arg18[%swap3A, %swap3A_97], %add3A_38 {strides = array<i32>} : memref<1x32xf32, #tpu.memory_space<vmem>>, vector<1x32xf32>,
      %swap3A_99 = arith.constant 0 : index
      %swap3A_100 = arith.constant 0 : index
      %swap3A_101 = vector.load %arg19[%swap3A_99, %swap3A_100] : memref<1x32xf32, #tpu.memory_space<vmem>>, vector<1x32xf32>
      tpu.vector_store %arg19[%swap3A_99, %swap3A_100], %add3A_85 {strides = array<i32>} : memref<1x32xf32, #tpu.memory_space<vmem>>, vector<1x32xf32>,
    } else {
    }
    %gt3A = arith.constant 0 : i32
    %gt3A_88 = arith.cmpi sgt, %arg0, %gt3A : i32
    %convert_element_type3A_89 = arith.extui %gt3A_88 : i1 to i32
    %cond3A_90 = arith.constant 0 : i32
    %cond3A_91 = arith.cmpi ne, %convert_element_type3A_89, %cond3A_90 : i32
    scf.if %cond3A_91 {
      %get3A_97 = arith.constant 0 : index
      %get3A_98 = arith.constant 0 : index
      %get3A_99 = vector.load %arg18[%get3A_97, %get3A_98] : memref<1x32xf32, #tpu.memory_space<vmem>>, vector<1x32xf32>
      %add3A_100 = arith.addf %get3A_99, %add3A_38 : vector<1x32xf32>
      %swap3A = arith.constant 0 : index
      %swap3A_101 = arith.constant 0 : index
      %swap3A_102 = vector.load %arg18[%swap3A, %swap3A_101] : memref<1x32xf32, #tpu.memory_space<vmem>>, vector<1x32xf32>
      tpu.vector_store %arg18[%swap3A, %swap3A_101], %add3A_100 {strides = array<i32>} : memref<1x32xf32, #tpu.memory_space<vmem>>, vector<1x32xf32>,
      %get3A_103 = arith.constant 0 : index
      %get3A_104 = arith.constant 0 : index
      %get3A_105 = vector.load %arg19[%get3A_103, %get3A_104] : memref<1x32xf32, #tpu.memory_space<vmem>>, vector<1x32xf32>
      %add3A_106 = arith.addf %get3A_105, %add3A_85 : vector<1x32xf32>
      %swap3A_107 = arith.constant 0 : index
      %swap3A_108 = arith.constant 0 : index
      %swap3A_109 = vector.load %arg19[%swap3A_107, %swap3A_108] : memref<1x32xf32, #tpu.memory_space<vmem>>, vector<1x32xf32>
      tpu.vector_store %arg19[%swap3A_107, %swap3A_108], %add3A_106 {strides = array<i32>} : memref<1x32xf32, #tpu.memory_space<vmem>>, vector<1x32xf32>,
    } else {
    }
    %eq3A_92 = arith.constant 3 : i32
    %eq3A_93 = arith.cmpi eq, %arg0, %eq3A_92 : i32
    %convert_element_type3A_94 = arith.extui %eq3A_93 : i1 to i32
    %cond3A_95 = arith.constant 0 : i32
    %cond3A_96 = arith.cmpi ne, %convert_element_type3A_94, %cond3A_95 : i32
    scf.if %cond3A_96 {
      %get3A_97 = arith.constant 0 : index
      %get3A_98 = arith.constant 0 : index
      %get3A_99 = vector.load %arg18[%get3A_97, %get3A_98] : memref<1x32xf32, #tpu.memory_space<vmem>>, vector<1x32xf32>
      %mul3A_100 = arith.constant 9.99999974E-5 : f32
      %mul3A_101 = vector.broadcast %mul3A_100 : f32 to vector<1x32xf32>
      %mul3A_102 = arith.mulf %get3A_99, %mul3A_101 : vector<1x32xf32>
      %get3A_103 = arith.constant 0 : index
      %get3A_104 = arith.constant 0 : index
      %get3A_105 = vector.load %arg19[%get3A_103, %get3A_104] : memref<1x32xf32, #tpu.memory_space<vmem>>, vector<1x32xf32>
      %mul3A_106 = arith.constant 9.99999974E-5 : f32
      %mul3A_107 = vector.broadcast %mul3A_106 : f32 to vector<1x32xf32>
      %mul3A_108 = arith.mulf %get3A_105, %mul3A_107 : vector<1x32xf32>
      %get3A_109 = arith.constant 0 : index
      %get3A_110 = arith.constant 0 : index
      %get3A_111 = vector.load %arg13[%get3A_109, %get3A_110] : memref<64x16xf32, #tpu.memory_space<vmem>>, vector<32x16xf32>
      %dot_general3A_112 = arith.constant dense<0.000000e+00> : vector<1x16xf32>
      %dot_general3A_113 = tpu.matmul %mul3A_102, %get3A_111, %dot_general3A_112 {dimension_numbers = #tpu.dot_dimension_numbers<[1], [0], [0], [1], [0, 0, 1, 1], [], []>, transpose_lhs_hint = false} : vector<1x32xf32>, vector<32x16xf32>, vector<1x16xf32> -> vector<1x16xf32>
      %get3A_114 = arith.constant 32 : index
      %get3A_115 = arith.constant 0 : index
      %get3A_116 = vector.load %arg13[%get3A_114, %get3A_115] : memref<64x16xf32, #tpu.memory_space<vmem>>, vector<32x16xf32>
      %dot_general3A_117 = arith.constant dense<0.000000e+00> : vector<1x16xf32>
      %dot_general3A_118 = tpu.matmul %mul3A_108, %get3A_116, %dot_general3A_117 {dimension_numbers = #tpu.dot_dimension_numbers<[1], [0], [0], [1], [0, 0, 1, 1], [], []>, transpose_lhs_hint = false} : vector<1x32xf32>, vector<32x16xf32>, vector<1x16xf32> -> vector<1x16xf32>
      %add3A_119 = arith.addf %dot_general3A_113, %dot_general3A_118 : vector<1x16xf32>
      %get3A_120 = arith.constant 0 : index
      %get3A_121 = arith.constant 0 : index
      %get3A_122 = vector.load %arg14[%get3A_120, %get3A_121] : memref<1x16xf32, #tpu.memory_space<vmem>>, vector<1x16xf32>
      %add3A_123 = arith.addf %add3A_119, %get3A_122 : vector<1x16xf32>
      %max3A_124 = arith.constant 0.000000e+00 : f32
      %max3A_125 = vector.broadcast %max3A_124 : f32 to vector<1x16xf32>
      %max3A_126 = arith.maximumf %add3A_123, %max3A_125 : vector<1x16xf32>
      %get3A_127 = arith.constant 0 : index
      %get3A_128 = arith.constant 0 : index
      %get3A_129 = vector.load %arg15[%get3A_127, %get3A_128] : memref<16x1xf32, #tpu.memory_space<vmem>>, vector<16x1xf32>
      %dot_general3A_130 = arith.constant dense<0.000000e+00> : vector<1x1xf32>
      %dot_general3A_131 = tpu.matmul %max3A_126, %get3A_129, %dot_general3A_130 {dimension_numbers = #tpu.dot_dimension_numbers<[1], [0], [0], [1], [0, 0, 1, 1], [], []>, transpose_lhs_hint = false} : vector<1x16xf32>, vector<16x1xf32>, vector<1x1xf32> -> vector<1x1xf32>
      %get3A_132 = arith.constant 0 : index
      %get3A_133 = arith.constant 0 : index
      %get3A_134 = vector.load %arg16[%get3A_132, %get3A_133] : memref<1x1xf32, #tpu.memory_space<vmem>>, vector<1x1xf32>
      %add3A_135 = arith.addf %dot_general3A_131, %get3A_134 : vector<1x1xf32>
      %neg3A = arith.constant 0.000000e+00 : f32
      %neg3A_136 = vector.broadcast %neg3A : f32 to vector<1x1xf32>
      %neg3A_137 = arith.subf %neg3A_136, %add3A_135 : vector<1x1xf32>
      %exp3A = math.exp %neg3A_137 : vector<1x1xf32>
      %add3A_138 = arith.constant 1.000000e+00 : f32
      %add3A_139 = vector.broadcast %add3A_138 : f32 to vector<1x1xf32>
      %add3A_140 = arith.addf %add3A_139, %exp3A : vector<1x1xf32>
      %div3A = arith.constant 1.000000e+00 : f32
      %div3A_141 = vector.broadcast %div3A : f32 to vector<1x1xf32>
      %div3A_142 = arith.divf %div3A_141, %add3A_140 : vector<1x1xf32>
      %swap3A = arith.constant 0 : index
      %swap3A_143 = arith.constant 0 : index
      %swap3A_144 = vector.load %arg17[%swap3A, %swap3A_143] : memref<1x1xf32, #tpu.memory_space<vmem>>, vector<1x1xf32>
      tpu.vector_store %arg17[%swap3A, %swap3A_143], %div3A_142 {strides = array<i32>} : memref<1x1xf32, #tpu.memory_space<vmem>>, vector<1x1xf32>,
    } else {
    }
    return
  }
  func.func @transform_0(%arg0: i32) -> (i32, i32) {
    %c0_i32 = arith.constant 0 : i32
    %c0_i32_0 = arith.constant 0 : i32
    return %arg0, %c0_i32 : i32, i32
  }
  func.func @transform_1(%arg0: i32) -> (i32, i32) {
    %add3A = arith.constant 4 : i32
    %add3A_0 = arith.addi %add3A, %arg0 : i32
    %c0_i32 = arith.constant 0 : i32
    %c0_i32_1 = arith.constant 0 : i32
    return %add3A_0, %c0_i32 : i32, i32
  }
  func.func @transform_2(%arg0: i32) -> (i32, i32) {
    %c0_i32 = arith.constant 0 : i32
    %c0_i32_0 = arith.constant 0 : i32
    return %arg0, %c0_i32 : i32, i32
  }
  func.func @transform_3(%arg0: i32) -> (i32, i32) {
    %add3A = arith.constant 4 : i32
    %add3A_0 = arith.addi %add3A, %arg0 : i32
    %c0_i32 = arith.constant 0 : i32
    %c0_i32_1 = arith.constant 0 : i32
    return %add3A_0, %c0_i32 : i32, i32
  }
  func.func @transform_4(%arg0: i32) -> (i32, i32) {
    %c0_i32 = arith.constant 0 : i32
    %c0_i32_0 = arith.constant 0 : i32
    return %arg0, %c0_i32 : i32, i32
  }
  func.func @transform_5(%arg0: i32) -> (i32, i32) {
    %add3A = arith.constant 4 : i32
    %add3A_0 = arith.addi %add3A, %arg0 : i32
    %c0_i32 = arith.constant 0 : i32
    %c0_i32_1 = arith.constant 0 : i32
    return %add3A_0, %c0_i32 : i32, i32
  }
  func.func @transform_6(%arg0: i32) -> (i32, i32) {
    %c0_i32 = arith.constant 0 : i32
    %c0_i32_0 = arith.constant 0 : i32
    return %arg0, %c0_i32 : i32, i32
  }
  func.func @transform_7(%arg0: i32) -> (i32, i32) {
    %add3A = arith.constant 4 : i32
    %add3A_0 = arith.addi %add3A, %arg0 : i32
    %c0_i32 = arith.constant 0 : i32
    %c0_i32_1 = arith.constant 0 : i32
    return %add3A_0, %c0_i32 : i32, i32
  }
  func.func @transform_8(%arg0: i32) -> (i32, i32) {
    %c0_i32 = arith.constant 0 : i32
    %c0_i32_0 = arith.constant 0 : i32
    %c0_i32_1 = arith.constant 0 : i32
    return %c0_i32, %c0_i32_0 : i32, i32
  }
  func.func @transform_9(%arg0: i32) -> (i32, i32) {
    %c0_i32 = arith.constant 0 : i32
    %c0_i32_0 = arith.constant 0 : i32
    %c0_i32_1 = arith.constant 0 : i32
    return %c0_i32, %c0_i32_0 : i32, i32
  }
  func.func @transform_10(%arg0: i32) -> (i32, i32) {
    %c0_i32 = arith.constant 0 : i32
    %c0_i32_0 = arith.constant 0 : i32
    %c0_i32_1 = arith.constant 0 : i32
    return %c0_i32, %c0_i32_0 : i32, i32
  }
  func.func @transform_11(%arg0: i32) -> (i32, i32) {
    %c0_i32 = arith.constant 0 : i32
    %c0_i32_0 = arith.constant 0 : i32
    %c0_i32_1 = arith.constant 0 : i32
    return %c0_i32, %c0_i32_0 : i32, i32
  }
  func.func @transform_12(%arg0: i32) -> (i32, i32) {
    %c0_i32 = arith.constant 0 : i32
    %c0_i32_0 = arith.constant 0 : i32
    %c0_i32_1 = arith.constant 0 : i32
    return %c0_i32, %c0_i32_0 : i32, i32
  }
  func.func @transform_13(%arg0: i32) -> (i32, i32) {
    %c0_i32 = arith.constant 0 : i32
    %c0_i32_0 = arith.constant 0 : i32
    %c0_i32_1 = arith.constant 0 : i32
    return %c0_i32, %c0_i32_0 : i32, i32
  }
  func.func @transform_14(%arg0: i32) -> (i32, i32) {
    %c0_i32 = arith.constant 0 : i32
    %c0_i32_0 = arith.constant 0 : i32
    %c0_i32_1 = arith.constant 0 : i32
    return %c0_i32, %c0_i32_0 : i32, i32
  }
  func.func @transform_15(%arg0: i32) -> (i32, i32) {
    %c0_i32 = arith.constant 0 : i32
    %c0_i32_0 = arith.constant 0 : i32
    %c0_i32_1 = arith.constant 0 : i32
    return %c0_i32, %c0_i32_0 : i32, i32
  }
  func.func @transform_16(%arg0: i32) -> (i32, i32) {
    %c0_i32 = arith.constant 0 : i32
    %c0_i32_0 = arith.constant 0 : i32
    %c0_i32_1 = arith.constant 0 : i32
    return %c0_i32, %c0_i32_0 : i32, i32
  }
}

</mosaic_0001>

<sc_bundles>
// kernel: kernel.10.cloned.1.call-start
scs
__scs_entry_jumppad:
0x0: {  	(pc) =	sbr.rel $0x88, $3  }
0x1: {  	(tag) =	ssettag $0x0;
	lr =	simm.s32 $0x1  }
0x2: {  	[smem:$0x3F91] =	sst lr;
	_ =	strace $0xD0000000  }
0x3: {  	_ = 	snop  }
0x4: {  	_ = 	snop  }
0x5: {  	_ = 	snop  }
0x6: {  	_ = 	snop  }
0x7: {  	_ = 	snop  }
__scs_overlays_trampoline_lowered:
0x8: {  	[smem:$0x3FA0] =	sst s0  }
0x9: {  	[smem:$0x3FA1] =	sst s1  }
0xa: {  	[smem:$0x3FA2] =	sst s2  }
0xb: {  	[smem:$0x3FA3] =	sst s3  }
0xc: {  	[smem:$0x3FA4] =	sst s4  }
0xd: {  	[smem:$0x3FA5] =	sst s5  }
0xe: {  	[smem:$0x3FA6] =	sst s6  }
0xf: {  	[smem:$0x3FA7] =	sst s7  }
0x10: {  	[smem:$0x3FA8] =	sst s8  }
0x11: {  	[smem:$0x3FA9] =	sst s9;
	s0 =	simm.s32 @!p0 $0x0  }
0x12: {  	s1 =	sld [smem:$0x3F8F];
	s0 =	simm.s32 @p0 $0x1  }
0x13: {  	[smem:$0x3FAA] =	sst s0;
	s0 =	simm.s32 @!p1 $0x0  }
0x14: {  	s2 =	sld [smem:$0x3F8E];
	s0 =	simm.s32 @p1 $0x1  }
0x15: {  	[smem:$0x3FAB] =	sst s0;
	s0 =	simm.s32 @!p2 $0x0  }
0x16: {  	s3 =	sld [smem:$0x3FDB];
	s0 =	simm.s32 @p2 $0x1  }
0x17: {  	s4 =	simm.s32 $0x1BF5;
	[smem:$0x3FAD] =	sst s0  }
0x18: {  	s0 =	sld [smem:$0x3F90];
	_ =	swait.ge [sflag:s4], $0x0  }
0x19: {  	s7 =	sld [smem:$0x3F91]  }
0x1a: {  	s8 =	sadd.s32 $0xFFFFE003, lr  }
0x1b: {  	s9 =	sadd.s32 $0xFFFFFEF7, lr;
	s5 =	simm.s32 $0xFFFFFFFF;
	p2 =	slt.u32 s8, $0xFFFFF086  }
0x1c: {  	p1 =	slt.u32 s9, $0xF7A;
	s5 =	simm.s32 @!p2 $0x0  }
0x1d: {  	s5 =	simm.s32 @p1 $0x1;
	p0 =	seq.s32 s7, s2  }
0x1e: {  	s7 =	smul.u32 @!p0 $0xF7A, s2;
	p2 =	seq.s32 @!p0 s5, $0x0  }
0x1f: {  	s9 =	smul.u32 $0xF7A, s1;
	s8 =	simm.s32 @!p0 $0x1BF5;
	p2 =	por !p2, p0  }
0x20: {  	[sflag:s8] =	ssyncset.s32 @!p0 $0xFFFFF086;
	s6 =	sadd.s32 @!p0 s3, s7;
	s7 =	simm.s32 @!p0 $0x108  }
0x21: {  	s3 =	sadd.s32 s3, s9;
	s6 =	sadd.s32 @!p0 $0x88, s6;
	s7 =	simm.s32 @p2 $0x1082  }
0x22: {  	[simem:s7], [sflag:s8] =	dma.local @!p0 [hbm:s6], $0xF7A  }
0x23: {  	s9 =	sor.u32 $0xD0000000, s2;
	s6 =	simm.s32 $0x108;
	_ =	swait.ge @!p0 [sflag:s8], $0x0  }
0x24: {  	s3 =	sadd.s32 $0x88, s3;
	s6 =	simm.s32 @!p1 $0x1082;
	[sflag:s4] =	ssyncset.s32 $0xFFFFF086  }
0x25: {  	[simem:s6], [sflag:s4] =	dma.local [hbm:s3], $0xF7A  }
0x26: {  	[smem:$0x3F91] =	sst s1;
	(tag) =	ssettag s2;
	_ =	strace s9  }
0x27: {  	s1 =	sld [smem:$0x3FA1]  }
0x28: {  	s2 =	sld [smem:$0x3FA2]  }
0x29: {  	s4 =	sld [smem:$0x3FA4]  }
0x2a: {  	p0 =	seq.s32 s5, $0x0;
	s5 =	sld [smem:$0x3FA5]  }
0x2b: {  	s6 =	sld [smem:$0x3FA6]  }
0x2c: {  	s7 =	sld [smem:$0x3FA7]  }
0x2d: {  	s3 =	simm.s32 $0x108;
	s8 =	sld [smem:$0x3FA8]  }
0x2e: {  	s3 =	simm.s32 @!p0 $0x1082;
	s9 =	sld [smem:$0x3FA9]  }
0x2f: {  	lr =	sadd.s32 s0, s3;
	s0 =	sld [smem:$0x3FA0]  }
0x30: {  	s3 =	sld [smem:$0x3FA3]  }
0x31: {  	[smem:$0x3FAC] =	sst s10  }
0x32: {  	s10 =	sld [smem:$0x3FAA];
	_ =	sdelay $0x3  }
0x33: {  	p0 =	seq.s32 s10, $0x1;
	s10 =	sld [smem:$0x3FAC];
	_ =	sdelay $0x3  }
0x34: {  	[smem:$0x3FAC] =	sst s10  }
0x35: {  	s10 =	sld [smem:$0x3FAB];
	_ =	sdelay $0x3  }
0x36: {  	p1 =	seq.s32 s10, $0x1;
	s10 =	sld [smem:$0x3FAC];
	_ =	sdelay $0x3  }
0x37: {  	[smem:$0x3FAC] =	sst s10  }
0x38: {  	s10 =	sld [smem:$0x3FAD]  }
0x39: {  	_ = 	snop;
	(pc) =	sbr.ind lr, $3  }
0x3a: {  	_ = 	snop  }
0x3b: {  	_ = 	snop  }
0x3c: {  	p2 =	seq.s32 s10, $0x1;
	s10 =	sld [smem:$0x3FAC]  }
0x3d: {  	_ =	shalt  }
0x3e: {  	_ =	shalt  }
0x3f: {  	_ =	shalt  }
0x40: {  	_ =	shalt  }
0x41: {  	_ =	shalt  }
0x42: {  	_ =	shalt  }
0x43: {  	_ =	shalt  }
0x44: {  	_ =	shalt  }
0x45: {  	_ =	shalt  }
0x46: {  	_ =	shalt  }
0x47: {  	_ =	shalt  }
0x48: {  	_ =	shalt  }
0x49: {  	_ =	shalt  }
0x4a: {  	_ =	shalt  }
0x4b: {  	_ =	shalt  }
0x4c: {  	_ =	shalt  }
0x4d: {  	_ =	shalt  }
0x4e: {  	_ =	shalt  }
0x4f: {  	_ =	shalt  }
0x50: {  	_ =	shalt  }
0x51: {  	_ =	shalt  }
0x52: {  	_ =	shalt  }
0x53: {  	_ =	shalt  }
0x54: {  	_ =	shalt  }
0x55: {  	_ =	shalt  }
0x56: {  	_ =	shalt  }
0x57: {  	_ =	shalt  }
0x58: {  	_ =	shalt  }
0x59: {  	_ =	shalt  }
0x5a: {  	_ =	shalt  }
0x5b: {  	_ =	shalt  }
0x5c: {  	_ =	shalt  }
0x5d: {  	_ =	shalt  }
0x5e: {  	_ =	shalt  }
0x5f: {  	_ =	shalt  }
0x60: {  	_ =	shalt  }
0x61: {  	_ =	shalt  }
0x62: {  	_ =	shalt  }
0x63: {  	_ =	shalt  }
0x64: {  	_ =	shalt  }
0x65: {  	_ =	shalt  }
0x66: {  	_ =	shalt  }
0x67: {  	_ =	shalt  }
0x68: {  	_ =	shalt  }
0x69: {  	_ =	shalt  }
0x6a: {  	_ =	shalt  }
0x6b: {  	_ =	shalt  }
0x6c: {  	_ =	shalt  }
0x6d: {  	_ =	shalt  }
0x6e: {  	_ =	shalt  }
0x6f: {  	_ =	shalt  }
0x70: {  	_ =	shalt  }
0x71: {  	_ =	shalt  }
0x72: {  	_ =	shalt  }
0x73: {  	_ =	shalt  }
0x74: {  	_ =	shalt  }
0x75: {  	_ =	shalt  }
0x76: {  	_ =	shalt  }
0x77: {  	_ =	shalt  }
0x78: {  	_ =	shalt  }
0x79: {  	_ =	shalt  }
0x7a: {  	_ =	shalt  }
0x7b: {  	_ =	shalt  }
0x7c: {  	_ =	shalt  }
0x7d: {  	_ =	shalt  }
0x7e: {  	_ =	shalt  }
0x7f: {  	_ =	shalt  }
0x80: {  	_ =	shalt  }
0x81: {  	_ =	shalt  }
0x82: {  	_ =	shalt  }
0x83: {  	_ =	shalt  }
0x84: {  	_ =	shalt  }
0x85: {  	_ =	shalt  }
0x86: {  	_ =	shalt  }
0x87: {  	_ =	shalt  }
.Lfunc_end0:
.L_simem_size_0:
called_computation.1_lowered:
.L_overlay_start_0:
0x88: {  	s2 =	sld [smem:$0x3FD9]  }
0x89: {  	s3 =	sld [smem:$0x3FFE];
	_ =	sdelay $0x1  }
0x8a: {  	s1 =	srdreg.scid  }
0x8b: {  	s0 =	sand.u32 $0x1, s1  }
0x8c: {  	s16 =	sshll.u32 s0, $0xA;
	s2 =	sadd.s32 s3, s2  }
0x8d: {  	s2 =	sadd.s32 s2, s16  }
0x8e: {  	[smem:$0x3FB8] =	sst s2  }
0x8f: {  	_ = 	snop  }
0x90: {  	(tm) =	ssettm $0x1  }
0x91: {  	s17 =	sld [smem:$0x3FFB];
	_ =	sdelay $0x3  }
0x92: {  	_ =	strace s17  }
0x93: {  	s2 =	sld [smem:$0x3FFC];
	_ =	sdelay $0x3  }
0x94: {  	_ =	strace s2  }
0x95: {  	s2 =	sld [smem:$0x3FFD];
	_ =	sdelay $0x3  }
0x96: {  	_ =	strace s2  }
0x97: {  	_ =	strace $0x8FFFFFFF  }
0x98: {  	s18 =	sld [smem:$0x3FDB];
	_ =	sdelay $0x1  }
0x99: {  	s19 =	simm.s32 $_scs_section_size  }
0x9a: {  	s4 =	simm.s32 $_size__tile_overlayer_lowered;
	s5 =	simm.s32 $_tile_overlayer_lowered  }
0x9b: {  	s22 =	simm.s32 $0x1BFF;
	s21 =	sshll.u32 s5, $0x1;
	s2 =	sadd.s32 s19, s18  }
0x9c: {  	s6 =	simm.s32 $0x0;
	s20 =	sshll.u32 s4, $0x1;
	s4 =	sadd.s32 s21, s2  }
0x9d: {  	[timem:s6], [sflag:s22] =	dma.local [hbm:s4], s20  }
0x9e: {  	_ =	swait.ge [sflag:s22], s20  }
0x9f: {  	s3 =	ssub.s32 $0x0, s20;
	[sflag:s22] =	ssyncset.done $0x0  }
0xa0: {  	[sflag:s22] =	ssyncadd.s32 s3;
	_ =	sdelay $0x1  }
0xa1: {  	s23 =	simm.s32 $0x1B8B  }
0xa2: {  	_ =	swait.ge [sflag:s23], $0x1  }
0xa3: {  	[sflag:s23] =	ssyncset.done $0x0  }
0xa4: {  	s25 =	simm.s32 $0x1B8E;
	s24 =	sld [smem:$0x3FFE];
	[sflag:s23] =	ssyncadd.s32 $0xFFFFFFFF  }
0xa5: {  	s26 =	simm.s32 $execute0_lowered;
	[smem:$0x3FD2] =	sst s25  }
0xa6: {  	s4 =	sshll.u32 s26, $0x1;
	_ =	strace $0x80000049;
	[dreg:$0x1] =	wrdreg $0xFFFFFFFF  }
0xa7: {  	s28 =	simm.s32 $_size_execute0_lowered;
	s2 =	sadd.s32 s2, s4;
	[dreg:$0x0] =	wrdreg $0x0  }
0xa8: {  	s4 =	sshll.u32 s28, $0x1;
	[dreg:$0x2] =	wrdreg s2  }
0xa9: {  	[dreg:$0x3] =	wrdreg s4  }
0xaa: {  	[dreg:$0x4] =	wrdreg $0xC0  }
0xab: {  	_ =	task [dreg:s6], $0x5FFFF  }
0xac: {  	[dreg:$0x1] =	wrdreg $0xFFFFFFFF  }
0xad: {  	[dreg:$0x0] =	wrdreg $0x60  }
0xae: {  	[dreg:$0x2] =	wrdreg s24  }
0xaf: {  	[dreg:$0x3] =	wrdreg $0xF0A00  }
0xb0: {  	[dreg:$0x4] =	wrdreg $0x190A00  }
0xb1: {  	[dreg:$0x5] =	wrdreg $0x9  }
0xb2: {  	_ =	task.clear_ibuf [dreg:s6], $0x6FFFF;
	_ =	strace $0x90000049  }
0xb3: {  	s29 =	simm.s32 $0x9;
	_ =	strace $0x8000004B  }
0xb4: {  	_ =	swait.ge [sflag:s29], $0x1  }
0xb5: {  	[sflag:s29] =	ssyncadd.s32 $0xFFFFFFFF  }
0xb6: {  	_ =	strace $0x9000004B  }
0xb7: {  	_ =	sfence  }
0xb8: {  	s30 =	sld [smem:$0x0];
	_ =	sdelay $0x2  }
0xb9: {  	s31 =	sshll.u32 s1, $0xD;
	s1 =	sshrl.u32 s1, $0x2  }
0xba: {  	s3 =	sand.u32 $0x4000, s31;
	s1 =	sadd.s32 s1, s30  }
0xbb: {  	s0 =	sor.u32 s3, s0;
	s1 =	sshll.u32 s1, $0x11  }
0xbc: {  	s0 =	sor.u32 s1, s0  }
0xbd: {  	s0 =	sadd.s32 $0x8F2B, s0  }
0xbe: {  	[sflag:s0] =	ssyncadd.remote.s32 $0x1  }
0xbf: {  	_ =	sfence.sel $0xFFFF  }
0xc0: {  	[dreg:$0x0] =	wrdreg $0xFFFFFFFF;
	(pc) =	sbr.abs _section_cstart, $3  }
0xc1: {  	[dreg:$0x1] =	wrdreg $0xFFFFFFFF  }
0xc2: {  	_ =	task.clear_ibuf [dreg:s6], $0x2FFFF;
	_ =	strace $0x9FFFFFFF  }
0xc3: {  	(tm) =	ssettm $0x7FFFFFFF  }
tec
execute0_lowered:
.L_overlay_start_1:
0x0: {  	(tag) =	ssettag $0x1  }
0x1: {  	s1 =	rddreg [dreg:$0x0]  }
0x2: {  	s0 =	srdreg.scid;
	s2 =	rddreg [dreg:$0x1]  }
0x3: {  	s16 =	stileid.u32;
	s3 =	rddreg [dreg:$0x2];
	s18 =	simm.s32 $0xB220  }
0x4: {  	s20 =	simm.s32 $0xC8;
	s21 =	simm.s32 $0x4E20;
	s22 =	simm.s32 $0x8020  }
0x5: {  	s28 =	simm.s32 $0x7D0;
	s29 =	simm.s32 $0xFA0;
	s30 =	simm.s32 $0x1770  }
0x6: {  	s31 =	simm.s32 $0x1F40;
	s0 =	sand.u32 $0x1, s0;
	s9 =	smul.u32 $0x280, s16  }
0x7: {  	s7 =	sadd.s32 $0x4800, s1;
	s8 =	sadd.s32 $0x4C00, s1;
	s12 =	smul.u32 $0x28000, s16  }
0x8: {  	s14 =	smul.u32 $0x5000, s16;
	s25 =	sshll.u32 s16, $0x6;
	s4 =	sshll.u32 s0, $0x4  }
0x9: {  	s10 =	smul.u32 $0x2800, s0;
	s0 =	ssub.s32 $0x2, s0;
	s5 =	sor.u32 s16, s4  }
0xa: {  	s4 =	simm.s32 $0x0;
	s23 =	sshrl.u32 s0, $0x1;
	s24 =	sshrl.u32 s12, $0x2  }
0xb: {  	s26 =	sshrl.u32 s14, $0x2;
	s16 =	simm.s32 $0x3;
	s6 =	smul.u32 $0x4E2, s5  }
0xc: {  	[smem:$0x7FF] =	sst s4;
	s5 =	sadd.s32 $0x5AE00, s1;
	s9 =	sadd.s32 s9, s10  }
0xd: {  	s0 =	ssub.s32 s0, s23;
	s15 =	sadd.s32 s24, s2;
	s17 =	sadd.s32 s26, s3  }
0xe: {  	s23 =	simm.s32 $0x1;
	s24 =	simm.s32 $0x2;
	s26 =	simm.s32 $0x4D58  }
0xf: {  	_ =	strace $0x8000004A;
	s10 =	sshll.u32 s9, $0x3;
	s14 =	smax.u32 s0, $0x1  }
0x10: {  	s15 =	sshrl.u32 s15, $0x3;
	s17 =	sshrl.u32 s17, $0x3;
	s11 =	sadd.s32 s6, s1  }
0x11: {  	s6 =	sadd.s32 $0x2CA00, s1;
	s13 =	sadd.s32 s10, s1;
	s1 =	sadd.s32 s9, s1  }
0x12: {  	s9 =	sor.u32 $0x1C03, s25;
	s10 =	sadd.s32 $0x6E800, s11;
	s11 =	sadd.s32 $0x78600, s11  }
0x13: {  	s12 =	sadd.s32 $0x82400, s13;
	s13 =	sadd.s32 $0x5400, s1;
	s1 =	simm.s32 $0x0  }
.LBB2_1:
0x14: {  	[spmem:s15], [sflag:s9] =	dma.local [hbm:s6], $0x1400  }
0x15: {  	_ =	swait.ge [sflag:s16], $0x1400  }
0x16: {  	[sflag:s16] =	ssyncset.done $0x0  }
0x17: {  	[sflag:s16] =	ssyncadd.s32 $0xFFFFEC00  }
0x18: {  	[spmem:s17], [sflag:s9] =	dma.local [hbm:s7], $0x280  }
0x19: {  	_ =	swait.ge [sflag:s16], $0x280  }
0x1a: {  	[sflag:s16] =	ssyncset.done $0x0  }
0x1b: {  	[sflag:s16] =	ssyncadd.s32 $0xFFFFFD80  }
0x1c: {  	[tilespmem:s18], [sflag:$0x3] =	stream.linear.gather [hbm4b:s8+s4], $0x3E80, $0x38;
	[tilespmem:$0x195A0] =	vst v63  }
0x1d: {  	_ =	swait.ge [sflag:s16], $0x3E80  }
0x1e: {  	[sflag:s16] =	ssyncset.done $0x0  }
0x1f: {  	[sflag:s16] =	ssyncadd.s32 $0xFFFFC180  }
0x20: {  	[tilespmem:s4], [sflag:$0x3] =	stream.linear.gather [hbm4b:s10+s4], $0x2710, $0x38;
	[tilespmem:$0x195A0] =	vst v63  }
0x21: {  	_ =	swait.ge [sflag:s16], $0x2710  }
0x22: {  	[sflag:s16] =	ssyncset.done $0x0  }
0x23: {  	s0 =	simm.s32 $0x2710;
	[sflag:s16] =	ssyncadd.s32 $0xFFFFD8F0  }
0x24: {  	[tilespmem:s0], [sflag:$0x3] =	stream.linear.gather [hbm4b:s11+s4], $0x2710, $0x38;
	[tilespmem:$0x195A0] =	vst v63  }
0x25: {  	_ =	swait.ge [sflag:s16], $0x2710  }
0x26: {  	[sflag:s16] =	ssyncset.done $0x0  }
0x27: {  	[sflag:s16] =	ssyncadd.s32 $0xFFFFD8F0  }
0x28: {  	[bflag:$0x0] =	sbarrier.arrive $0xFFFF  }
0x29: {  	[tilespmem:s21], [sflag:$0x1] =	stream.indirect.gather [hbm4b:s5+s20], $0x40, s4, s20, $0xb8;
	[tilespmem:$0x195A0] =	vst v63  }
0x2a: {  	_ = 	snop  }
0x2b: {  	[tilespmem:s22], [sflag:$0x2] =	stream.indirect.gather [hbm4b:s5+s20], $0x40, s20, s20, $0xb8;
	[tilespmem:$0x195A0] =	vst v63  }
0x2c: {  	_ =	swait.ge [sflag:s23], $0x3200  }
0x2d: {  	[sflag:s23] =	ssyncset.done $0x0  }
0x2e: {  	s25 =	simm.s32 $0x2710;
	[sflag:s23] =	ssyncadd.s32 $0xFFFFCE00  }
0x2f: {  	[spmem:s2] =	stream.indirect.scatter.add.f32 [tilespmem:s21], [sflag:$0x3], $0x40, s25, s20, $0xb8;
	[tilespmem:$0x195A0] =	vst v63  }
0x30: {  	_ =	swait.ge [sflag:s16], $0x3200  }
0x31: {  	[sflag:s16] =	ssyncset.done $0x0  }
0x32: {  	s19 =	simm.s32 $0x190;
	[sflag:s16] =	ssyncadd.s32 $0xFFFFCE00  }
0x33: {  	[tilespmem:s21], [sflag:$0x1] =	stream.indirect.gather [hbm4b:s5+s20], $0x40, s19, s20, $0xb8;
	[tilespmem:$0x195A0] =	vst v63  }
0x34: {  	_ =	swait.ge [sflag:s24], $0x3200  }
0x35: {  	[sflag:s24] =	ssyncset.done $0x0  }
0x36: {  	s25 =	simm.s32 $0x27D8;
	[sflag:s24] =	ssyncadd.s32 $0xFFFFCE00  }
0x37: {  	[spmem:s2] =	stream.indirect.scatter.add.f32 [tilespmem:s22], [sflag:$0x3], $0x40, s25, s20, $0xb8;
	[tilespmem:$0x195A0] =	vst v63  }
0x38: {  	_ =	swait.ge [sflag:s16], $0x3200  }
0x39: {  	[sflag:s16] =	ssyncset.done $0x0  }
0x3a: {  	s0 =	simm.s32 $0x640;
	s19 =	simm.s32 $0x258;
	[sflag:s16] =	ssyncadd.s32 $0xFFFFCE00  }
.LBB2_2:
0x3b: {  	[tilespmem:s22], [sflag:$0x2] =	stream.indirect.gather [hbm4b:s5+s20], $0x40, s19, s20, $0xb8;
	[tilespmem:$0x195A0] =	vst v63  }
0x3c: {  	s19 =	smov.u32 s0  }
0x3d: {  	p0 =	sne.s32 s0, $0x8FC0;
	s0 =	sadd.s32 $0x640, s0;
	_ =	swait.ge [sflag:s23], $0x3200  }
0x3e: {  	s19 =	sshra.s32 s19, $0x2;
	[sflag:s23] =	ssyncset.done $0x0  }
0x3f: {  	s25 =	sadd.s32 $0x2710, s19;
	[sflag:s23] =	ssyncadd.s32 $0xFFFFCE00  }
0x40: {  	[spmem:s2] =	stream.indirect.scatter.add.f32 [tilespmem:s21], [sflag:$0x3], $0x40, s25, s20, $0xb8;
	[tilespmem:$0x195A0] =	vst v63  }
0x41: {  	_ =	swait.ge [sflag:s16], $0x3200  }
0x42: {  	[sflag:s16] =	ssyncset.done $0x0  }
0x43: {  	s25 =	sadd.s32 $0x190, s19;
	[sflag:s16] =	ssyncadd.s32 $0xFFFFCE00  }
0x44: {  	[tilespmem:s21], [sflag:$0x1] =	stream.indirect.gather [hbm4b:s5+s20], $0x40, s25, s20, $0xb8;
	[tilespmem:$0x195A0] =	vst v63  }
0x45: {  	_ =	swait.ge [sflag:s24], $0x3200  }
0x46: {  	[sflag:s24] =	ssyncset.done $0x0  }
.Ltmp0:
0x47: {  	s25 =	sadd.s32 $0x27D8, s19;
	[sflag:s24] =	ssyncadd.s32 $0xFFFFCE00;
	(pc) =	sbr.rel @p0 .LBB2_2-.Ltmp0, $4  }
0x48: {  	[spmem:s2] =	stream.indirect.scatter.add.f32 [tilespmem:s22], [sflag:$0x3], $0x40, s25, s20, $0xb8;
	[tilespmem:$0x195A0] =	vst v63  }
0x49: {  	_ =	swait.ge [sflag:s16], $0x3200  }
0x4a: {  	[sflag:s16] =	ssyncset.done $0x0  }
0x4b: {  	s19 =	sadd.s32 $0x258, s19;
	[sflag:s16] =	ssyncadd.s32 $0xFFFFCE00  }
0x4c: {  	[tilespmem:s22], [sflag:$0x2] =	stream.indirect.gather [hbm4b:s5+s20], $0x40, s19, s20, $0xb8;
	[tilespmem:$0x195A0] =	vst v63  }
0x4d: {  	_ =	swait.ge [sflag:s23], $0x3200  }
0x4e: {  	[sflag:s23] =	ssyncset.done $0x0  }
0x4f: {  	s0 =	simm.s32 $0x4C90;
	[sflag:s23] =	ssyncadd.s32 $0xFFFFCE00  }
0x50: {  	[spmem:s2] =	stream.indirect.scatter.add.f32 [tilespmem:s21], [sflag:$0x3], $0x40, s0, s20, $0xb8;
	[tilespmem:$0x195A0] =	vst v63  }
0x51: {  	_ =	swait.ge [sflag:s16], $0x3200  }
0x52: {  	[sflag:s16] =	ssyncset.done $0x0  }
0x53: {  	[sflag:s16] =	ssyncadd.s32 $0xFFFFCE00  }
0x54: {  	_ =	swait.ge [sflag:s24], $0x3200  }
0x55: {  	[sflag:s24] =	ssyncset.done $0x0  }
0x56: {  	[sflag:s24] =	ssyncadd.s32 $0xFFFFCE00  }
0x57: {  	[spmem:s2] =	stream.indirect.scatter.add.f32 [tilespmem:s22], [sflag:$0x3], $0x40, s26, s20, $0xb8;
	[tilespmem:$0x195A0] =	vst v63  }
0x58: {  	_ =	swait.ge [sflag:s16], $0x3200  }
0x59: {  	[sflag:s16] =	ssyncset.done $0x0  }
0x5a: {  	[sflag:s16] =	ssyncadd.s32 $0xFFFFCE00  }
0x5b: {  	[spmem:s3] =	stream.indirect.scatter.add.f32 [tilespmem:s18], [sflag:$0x3], $0x2, s4, s28, $0xb8;
	[tilespmem:$0x195A0] =	vst v63  }
0x5c: {  	_ =	swait.ge [sflag:s16], $0xFA0  }
0x5d: {  	[sflag:s16] =	ssyncset.done $0x0  }
0x5e: {  	[sflag:s16] =	ssyncadd.s32 $0xFFFFF060  }
0x5f: {  	[spmem:s3] =	stream.indirect.scatter.add.f32 [tilespmem:s18], [sflag:$0x3], $0x2, s28, s28, $0xb8;
	[tilespmem:$0x195A0] =	vst v63  }
0x60: {  	_ =	swait.ge [sflag:s16], $0xFA0  }
0x61: {  	[sflag:s16] =	ssyncset.done $0x0  }
0x62: {  	[sflag:s16] =	ssyncadd.s32 $0xFFFFF060  }
0x63: {  	[spmem:s3] =	stream.indirect.scatter.add.f32 [tilespmem:s18], [sflag:$0x3], $0x2, s29, s28, $0xb8;
	[tilespmem:$0x195A0] =	vst v63  }
0x64: {  	_ =	swait.ge [sflag:s16], $0xFA0  }
0x65: {  	[sflag:s16] =	ssyncset.done $0x0  }
0x66: {  	[sflag:s16] =	ssyncadd.s32 $0xFFFFF060  }
0x67: {  	[spmem:s3] =	stream.indirect.scatter.add.f32 [tilespmem:s18], [sflag:$0x3], $0x2, s30, s28, $0xb8;
	[tilespmem:$0x195A0] =	vst v63  }
0x68: {  	_ =	swait.ge [sflag:s16], $0xFA0  }
0x69: {  	[sflag:s16] =	ssyncset.done $0x0  }
0x6a: {  	[sflag:s16] =	ssyncadd.s32 $0xFFFFF060  }
0x6b: {  	[spmem:s3] =	stream.indirect.scatter.add.f32 [tilespmem:s18], [sflag:$0x3], $0x2, s31, s28, $0xb8;
	[tilespmem:$0x195A0] =	vst v63  }
0x6c: {  	_ =	swait.ge [sflag:s16], $0xFA0  }
0x6d: {  	[sflag:s16] =	ssyncset.done $0x0  }
0x6e: {  	[sflag:s16] =	ssyncadd.s32 $0xFFFFF060  }
0x6f: {  	[bflag:$0x0] =	sbarrier.arrive $0xFFFF  }
0x70: {  	[hbm:s12], [sflag:s9] =	dma.local [spmem:s15], $0x1400  }
0x71: {  	s1 =	sadd.s32 $0x1, s1;
	_ =	swait.ge [sflag:s16], $0x1400  }
0x72: {  	p0 =	sne.s32 s1, s14;
	[sflag:s16] =	ssyncset.done $0x0  }
.Ltmp1:
0x73: {  	[sflag:s16] =	ssyncadd.s32 $0xFFFFEC00;
	(pc) =	sbr.rel @p0 .LBB2_1-.Ltmp1, $4  }
0x74: {  	[hbm:s13], [sflag:s9] =	dma.local [spmem:s17], $0x280  }
0x75: {  	_ =	swait.ge [sflag:s16], $0x280  }
0x76: {  	[sflag:s16] =	ssyncset.done $0x0  }
0x77: {  	[sflag:s16] =	ssyncadd.s32 $0xFFFFFD80  }
0x78: {  	_ =	sfence.sel $0x180000  }
0x79: {  	[bflag:$0x0] =	sbarrier.arrive $0xFFFF  }
0x7a: {  	_ =	strace $0x9000004A  }
0x7b: {  	s0 =	stileid.u32;
	[bflag:$0x2] =	sbarrier.arrive $0xFFFF  }
0x7c: {  	p0 =	sne.s32 s0, $0x0;
	s0 =	rddreg [dreg:$0x3]  }
0x7d: {  	s0 =	sadd.s32 @!p0 $0x100000, s0  }
0x7e: {  	[sflag:s0] =	ssyncadd.tile.s32 @!p0 $0x1;
	_ =	shalt  }
.Lfunc_end2:
_tile_overlayer_lowered:
.L_overlay_start_2:
0x7f: {  	(tag) =	ssettag $0x2  }
0x80: {  	s0 =	rddreg [dreg:$0x0];
	s2 =	stileid.u32  }
0x81: {  	s1 =	rddreg [dreg:$0x1];
	p0 =	sne.s32 s2, $0x0  }
0x82: {  	s3 =	rddreg [dreg:$0x2];
	[bflag:$0x3] =	sbarrier.arrive $0xFFFF;
	s2 =	simm.s32 @!p0 $0x1C03  }
0x83: {  	[timem:s3], [sflag:s2] =	dma.local @!p0 [hbm:s0], s1  }
0x84: {  	s0 =	simm.s32 @!p0 $0x3  }
0x85: {  	_ =	swait.ge @!p0 [sflag:s0], s1  }
0x86: {  	s1 =	ssub.s32 @!p0 $0x0, s1;
	[sflag:s0] =	ssyncset.done @!p0 $0x0  }
0x87: {  	[sflag:s0] =	ssyncadd.s32 @!p0 s1  }
0x88: {  	[bflag:$0x3] =	sbarrier.arrive $0xFFFF  }
0x89: {  	_ =	shalt  }

// kernel: kernel.7.cloned.1.call-start
scs
__scs_entry_jumppad:
0x0: {  	(pc) =	sbr.rel $0x88, $3  }
0x1: {  	(tag) =	ssettag $0x0;
	lr =	simm.s32 $0x1  }
0x2: {  	[smem:$0x3F91] =	sst lr;
	_ =	strace $0xD0000000  }
0x3: {  	_ = 	snop  }
0x4: {  	_ = 	snop  }
0x5: {  	_ = 	snop  }
0x6: {  	_ = 	snop  }
0x7: {  	_ = 	snop  }
__scs_overlays_trampoline_lowered:
0x8: {  	[smem:$0x3FA0] =	sst s0  }
0x9: {  	[smem:$0x3FA1] =	sst s1  }
0xa: {  	[smem:$0x3FA2] =	sst s2  }
0xb: {  	[smem:$0x3FA3] =	sst s3  }
0xc: {  	[smem:$0x3FA4] =	sst s4  }
0xd: {  	[smem:$0x3FA5] =	sst s5  }
0xe: {  	[smem:$0x3FA6] =	sst s6  }
0xf: {  	[smem:$0x3FA7] =	sst s7  }
0x10: {  	[smem:$0x3FA8] =	sst s8  }
0x11: {  	[smem:$0x3FA9] =	sst s9;
	s0 =	simm.s32 @!p0 $0x0  }
0x12: {  	s1 =	sld [smem:$0x3F8F];
	s0 =	simm.s32 @p0 $0x1  }
0x13: {  	[smem:$0x3FAA] =	sst s0;
	s0 =	simm.s32 @!p1 $0x0  }
0x14: {  	s2 =	sld [smem:$0x3F8E];
	s0 =	simm.s32 @p1 $0x1  }
0x15: {  	[smem:$0x3FAB] =	sst s0;
	s0 =	simm.s32 @!p2 $0x0  }
0x16: {  	s3 =	sld [smem:$0x3FDB];
	s0 =	simm.s32 @p2 $0x1  }
0x17: {  	s4 =	simm.s32 $0x1BF5;
	[smem:$0x3FAD] =	sst s0  }
0x18: {  	s0 =	sld [smem:$0x3F90];
	_ =	swait.ge [sflag:s4], $0x0  }
0x19: {  	s7 =	sld [smem:$0x3F91]  }
0x1a: {  	s8 =	sadd.s32 $0xFFFFE003, lr  }
0x1b: {  	s9 =	sadd.s32 $0xFFFFFEF7, lr;
	s5 =	simm.s32 $0xFFFFFFFF;
	p2 =	slt.u32 s8, $0xFFFFF086  }
0x1c: {  	p1 =	slt.u32 s9, $0xF7A;
	s5 =	simm.s32 @!p2 $0x0  }
0x1d: {  	s5 =	simm.s32 @p1 $0x1;
	p0 =	seq.s32 s7, s2  }
0x1e: {  	s7 =	smul.u32 @!p0 $0xF7A, s2;
	p2 =	seq.s32 @!p0 s5, $0x0  }
0x1f: {  	s9 =	smul.u32 $0xF7A, s1;
	s8 =	simm.s32 @!p0 $0x1BF5;
	p2 =	por !p2, p0  }
0x20: {  	[sflag:s8] =	ssyncset.s32 @!p0 $0xFFFFF086;
	s6 =	sadd.s32 @!p0 s3, s7;
	s7 =	simm.s32 @!p0 $0x108  }
0x21: {  	s3 =	sadd.s32 s3, s9;
	s6 =	sadd.s32 @!p0 $0x88, s6;
	s7 =	simm.s32 @p2 $0x1082  }
0x22: {  	[simem:s7], [sflag:s8] =	dma.local @!p0 [hbm:s6], $0xF7A  }
0x23: {  	s9 =	sor.u32 $0xD0000000, s2;
	s6 =	simm.s32 $0x108;
	_ =	swait.ge @!p0 [sflag:s8], $0x0  }
0x24: {  	s3 =	sadd.s32 $0x88, s3;
	s6 =	simm.s32 @!p1 $0x1082;
	[sflag:s4] =	ssyncset.s32 $0xFFFFF086  }
0x25: {  	[simem:s6], [sflag:s4] =	dma.local [hbm:s3], $0xF7A  }
0x26: {  	[smem:$0x3F91] =	sst s1;
	(tag) =	ssettag s2;
	_ =	strace s9  }
0x27: {  	s1 =	sld [smem:$0x3FA1]  }
0x28: {  	s2 =	sld [smem:$0x3FA2]  }
0x29: {  	s4 =	sld [smem:$0x3FA4]  }
0x2a: {  	p0 =	seq.s32 s5, $0x0;
	s5 =	sld [smem:$0x3FA5]  }
0x2b: {  	s6 =	sld [smem:$0x3FA6]  }
0x2c: {  	s7 =	sld [smem:$0x3FA7]  }
0x2d: {  	s3 =	simm.s32 $0x108;
	s8 =	sld [smem:$0x3FA8]  }
0x2e: {  	s3 =	simm.s32 @!p0 $0x1082;
	s9 =	sld [smem:$0x3FA9]  }
0x2f: {  	lr =	sadd.s32 s0, s3;
	s0 =	sld [smem:$0x3FA0]  }
0x30: {  	s3 =	sld [smem:$0x3FA3]  }
0x31: {  	[smem:$0x3FAC] =	sst s10  }
0x32: {  	s10 =	sld [smem:$0x3FAA];
	_ =	sdelay $0x3  }
0x33: {  	p0 =	seq.s32 s10, $0x1;
	s10 =	sld [smem:$0x3FAC];
	_ =	sdelay $0x3  }
0x34: {  	[smem:$0x3FAC] =	sst s10  }
0x35: {  	s10 =	sld [smem:$0x3FAB];
	_ =	sdelay $0x3  }
0x36: {  	p1 =	seq.s32 s10, $0x1;
	s10 =	sld [smem:$0x3FAC];
	_ =	sdelay $0x3  }
0x37: {  	[smem:$0x3FAC] =	sst s10  }
0x38: {  	s10 =	sld [smem:$0x3FAD]  }
0x39: {  	_ = 	snop;
	(pc) =	sbr.ind lr, $3  }
0x3a: {  	_ = 	snop  }
0x3b: {  	_ = 	snop  }
0x3c: {  	p2 =	seq.s32 s10, $0x1;
	s10 =	sld [smem:$0x3FAC]  }
0x3d: {  	_ =	shalt  }
0x3e: {  	_ =	shalt  }
0x3f: {  	_ =	shalt  }
0x40: {  	_ =	shalt  }
0x41: {  	_ =	shalt  }
0x42: {  	_ =	shalt  }
0x43: {  	_ =	shalt  }
0x44: {  	_ =	shalt  }
0x45: {  	_ =	shalt  }
0x46: {  	_ =	shalt  }
0x47: {  	_ =	shalt  }
0x48: {  	_ =	shalt  }
0x49: {  	_ =	shalt  }
0x4a: {  	_ =	shalt  }
0x4b: {  	_ =	shalt  }
0x4c: {  	_ =	shalt  }
0x4d: {  	_ =	shalt  }
0x4e: {  	_ =	shalt  }
0x4f: {  	_ =	shalt  }
0x50: {  	_ =	shalt  }
0x51: {  	_ =	shalt  }
0x52: {  	_ =	shalt  }
0x53: {  	_ =	shalt  }
0x54: {  	_ =	shalt  }
0x55: {  	_ =	shalt  }
0x56: {  	_ =	shalt  }
0x57: {  	_ =	shalt  }
0x58: {  	_ =	shalt  }
0x59: {  	_ =	shalt  }
0x5a: {  	_ =	shalt  }
0x5b: {  	_ =	shalt  }
0x5c: {  	_ =	shalt  }
0x5d: {  	_ =	shalt  }
0x5e: {  	_ =	shalt  }
0x5f: {  	_ =	shalt  }
0x60: {  	_ =	shalt  }
0x61: {  	_ =	shalt  }
0x62: {  	_ =	shalt  }
0x63: {  	_ =	shalt  }
0x64: {  	_ =	shalt  }
0x65: {  	_ =	shalt  }
0x66: {  	_ =	shalt  }
0x67: {  	_ =	shalt  }
0x68: {  	_ =	shalt  }
0x69: {  	_ =	shalt  }
0x6a: {  	_ =	shalt  }
0x6b: {  	_ =	shalt  }
0x6c: {  	_ =	shalt  }
0x6d: {  	_ =	shalt  }
0x6e: {  	_ =	shalt  }
0x6f: {  	_ =	shalt  }
0x70: {  	_ =	shalt  }
0x71: {  	_ =	shalt  }
0x72: {  	_ =	shalt  }
0x73: {  	_ =	shalt  }
0x74: {  	_ =	shalt  }
0x75: {  	_ =	shalt  }
0x76: {  	_ =	shalt  }
0x77: {  	_ =	shalt  }
0x78: {  	_ =	shalt  }
0x79: {  	_ =	shalt  }
0x7a: {  	_ =	shalt  }
0x7b: {  	_ =	shalt  }
0x7c: {  	_ =	shalt  }
0x7d: {  	_ =	shalt  }
0x7e: {  	_ =	shalt  }
0x7f: {  	_ =	shalt  }
0x80: {  	_ =	shalt  }
0x81: {  	_ =	shalt  }
0x82: {  	_ =	shalt  }
0x83: {  	_ =	shalt  }
0x84: {  	_ =	shalt  }
0x85: {  	_ =	shalt  }
0x86: {  	_ =	shalt  }
0x87: {  	_ =	shalt  }
.Lfunc_end0:
.L_simem_size_0:
called_computation_lowered:
.L_overlay_start_0:
0x88: {  	s2 =	sld [smem:$0x3FD9]  }
0x89: {  	s3 =	sld [smem:$0x3FFE];
	_ =	sdelay $0x1  }
0x8a: {  	s1 =	srdreg.scid  }
0x8b: {  	s0 =	sand.u32 $0x1, s1  }
0x8c: {  	s16 =	sshll.u32 s0, $0xA;
	s2 =	sadd.s32 s3, s2  }
0x8d: {  	s2 =	sadd.s32 s2, s16  }
0x8e: {  	[smem:$0x3FB8] =	sst s2  }
0x8f: {  	_ = 	snop  }
0x90: {  	(tm) =	ssettm $0x1  }
0x91: {  	s17 =	sld [smem:$0x3FFB];
	_ =	sdelay $0x3  }
0x92: {  	_ =	strace s17  }
0x93: {  	s2 =	sld [smem:$0x3FFC];
	_ =	sdelay $0x3  }
0x94: {  	_ =	strace s2  }
0x95: {  	s2 =	sld [smem:$0x3FFD];
	_ =	sdelay $0x3  }
0x96: {  	_ =	strace s2  }
0x97: {  	_ =	strace $0x8FFFFFFF  }
0x98: {  	s18 =	sld [smem:$0x3FDB];
	_ =	sdelay $0x1  }
0x99: {  	s19 =	simm.s32 $_scs_section_size  }
0x9a: {  	s4 =	simm.s32 $_size__tile_overlayer_lowered;
	s5 =	simm.s32 $_tile_overlayer_lowered  }
0x9b: {  	s22 =	simm.s32 $0x1BFF;
	s21 =	sshll.u32 s5, $0x1;
	s2 =	sadd.s32 s19, s18  }
0x9c: {  	s6 =	simm.s32 $0x0;
	s20 =	sshll.u32 s4, $0x1;
	s4 =	sadd.s32 s21, s2  }
0x9d: {  	[timem:s6], [sflag:s22] =	dma.local [hbm:s4], s20  }
0x9e: {  	_ =	swait.ge [sflag:s22], s20  }
0x9f: {  	s3 =	ssub.s32 $0x0, s20;
	[sflag:s22] =	ssyncset.done $0x0  }
0xa0: {  	[sflag:s22] =	ssyncadd.s32 s3;
	_ =	sdelay $0x1  }
0xa1: {  	s23 =	simm.s32 $0x1B8B  }
0xa2: {  	_ =	swait.ge [sflag:s23], $0x1  }
0xa3: {  	[sflag:s23] =	ssyncset.done $0x0  }
0xa4: {  	s25 =	simm.s32 $0x1B8E;
	s24 =	sld [smem:$0x3FFE];
	[sflag:s23] =	ssyncadd.s32 $0xFFFFFFFF  }
0xa5: {  	s26 =	simm.s32 $execute0_lowered;
	[smem:$0x3FD2] =	sst s25  }
0xa6: {  	s4 =	sshll.u32 s26, $0x1;
	_ =	strace $0x80000046;
	[dreg:$0x1] =	wrdreg $0xFFFFFFFF  }
0xa7: {  	s28 =	simm.s32 $_size_execute0_lowered;
	s2 =	sadd.s32 s2, s4;
	[dreg:$0x0] =	wrdreg $0x0  }
0xa8: {  	s4 =	sshll.u32 s28, $0x1;
	[dreg:$0x2] =	wrdreg s2  }
0xa9: {  	[dreg:$0x3] =	wrdreg s4  }
0xaa: {  	[dreg:$0x4] =	wrdreg $0xC0  }
0xab: {  	_ =	task [dreg:s6], $0x5FFFF  }
0xac: {  	[dreg:$0x1] =	wrdreg $0xFFFFFFFF  }
0xad: {  	[dreg:$0x0] =	wrdreg $0x60  }
0xae: {  	[dreg:$0x2] =	wrdreg s24  }
0xaf: {  	[dreg:$0x3] =	wrdreg $0xF0A00  }
0xb0: {  	[dreg:$0x4] =	wrdreg $0x190A00  }
0xb1: {  	[dreg:$0x5] =	wrdreg $0x9  }
0xb2: {  	_ =	task.clear_ibuf [dreg:s6], $0x6FFFF;
	_ =	strace $0x90000046  }
0xb3: {  	s29 =	simm.s32 $0x9;
	_ =	strace $0x80000048  }
0xb4: {  	_ =	swait.ge [sflag:s29], $0x1  }
0xb5: {  	[sflag:s29] =	ssyncadd.s32 $0xFFFFFFFF  }
0xb6: {  	_ =	strace $0x90000048  }
0xb7: {  	_ =	sfence  }
0xb8: {  	s30 =	sld [smem:$0x0];
	_ =	sdelay $0x2  }
0xb9: {  	s31 =	sshll.u32 s1, $0xD;
	s1 =	sshrl.u32 s1, $0x2  }
0xba: {  	s3 =	sand.u32 $0x4000, s31;
	s1 =	sadd.s32 s1, s30  }
0xbb: {  	s0 =	sor.u32 s3, s0;
	s1 =	sshll.u32 s1, $0x11  }
0xbc: {  	s0 =	sor.u32 s1, s0  }
0xbd: {  	s0 =	sadd.s32 $0x8F2B, s0  }
0xbe: {  	[sflag:s0] =	ssyncadd.remote.s32 $0x1  }
0xbf: {  	_ =	sfence.sel $0xFFFF  }
0xc0: {  	[dreg:$0x0] =	wrdreg $0xFFFFFFFF;
	(pc) =	sbr.abs _section_cstart, $3  }
0xc1: {  	[dreg:$0x1] =	wrdreg $0xFFFFFFFF  }
0xc2: {  	_ =	task.clear_ibuf [dreg:s6], $0x2FFFF;
	_ =	strace $0x9FFFFFFF  }
0xc3: {  	(tm) =	ssettm $0x7FFFFFFF  }
tec
execute0_lowered:
.L_overlay_start_1:
0x0: {  	(tag) =	ssettag $0x1  }
0x1: {  	s1 =	rddreg [dreg:$0x0]  }
0x2: {  	s0 =	srdreg.scid;
	s2 =	rddreg [dreg:$0x1]  }
0x3: {  	s16 =	stileid.u32;
	s3 =	rddreg [dreg:$0x2];
	s18 =	simm.s32 $0xB220  }
0x4: {  	s20 =	simm.s32 $0xC8;
	s21 =	simm.s32 $0x4E20;
	s22 =	simm.s32 $0x8020  }
0x5: {  	s28 =	simm.s32 $0x7D0;
	s29 =	simm.s32 $0xFA0;
	s30 =	simm.s32 $0x1770  }
0x6: {  	s31 =	simm.s32 $0x1F40;
	s0 =	sand.u32 $0x1, s0;
	s9 =	smul.u32 $0x280, s16  }
0x7: {  	s7 =	sadd.s32 $0x4800, s1;
	s8 =	sadd.s32 $0x4C00, s1;
	s12 =	smul.u32 $0x28000, s16  }
0x8: {  	s14 =	smul.u32 $0x5000, s16;
	s25 =	sshll.u32 s16, $0x6;
	s4 =	sshll.u32 s0, $0x4  }
0x9: {  	s10 =	smul.u32 $0x2800, s0;
	s0 =	ssub.s32 $0x2, s0;
	s5 =	sor.u32 s16, s4  }
0xa: {  	s4 =	simm.s32 $0x0;
	s23 =	sshrl.u32 s0, $0x1;
	s24 =	sshrl.u32 s12, $0x2  }
0xb: {  	s26 =	sshrl.u32 s14, $0x2;
	s16 =	simm.s32 $0x3;
	s6 =	smul.u32 $0x4E2, s5  }
0xc: {  	[smem:$0x7FF] =	sst s4;
	s5 =	sadd.s32 $0x5400, s1;
	s9 =	sadd.s32 s9, s10  }
0xd: {  	s0 =	ssub.s32 s0, s23;
	s15 =	sadd.s32 s24, s2;
	s17 =	sadd.s32 s26, s3  }
0xe: {  	s23 =	simm.s32 $0x1;
	s24 =	simm.s32 $0x2;
	s26 =	simm.s32 $0x4D58  }
0xf: {  	_ =	strace $0x80000047;
	s10 =	sshll.u32 s9, $0x3;
	s14 =	smax.u32 s0, $0x1  }
0x10: {  	s15 =	sshrl.u32 s15, $0x3;
	s17 =	sshrl.u32 s17, $0x3;
	s11 =	sadd.s32 s6, s1  }
0x11: {  	s6 =	sadd.s32 $0x2CA00, s1;
	s13 =	sadd.s32 s10, s1;
	s1 =	sadd.s32 s9, s1  }
0x12: {  	s9 =	sor.u32 $0x1C03, s25;
	s10 =	sadd.s32 $0x18E00, s11;
	s11 =	sadd.s32 $0x22C00, s11  }
0x13: {  	s12 =	sadd.s32 $0x32E00, s13;
	s13 =	sadd.s32 $0x2DE00, s1;
	s1 =	simm.s32 $0x0  }
.LBB2_1:
0x14: {  	[spmem:s15], [sflag:s9] =	dma.local [hbm:s6], $0x1400  }
0x15: {  	_ =	swait.ge [sflag:s16], $0x1400  }
0x16: {  	[sflag:s16] =	ssyncset.done $0x0  }
0x17: {  	[sflag:s16] =	ssyncadd.s32 $0xFFFFEC00  }
0x18: {  	[spmem:s17], [sflag:s9] =	dma.local [hbm:s7], $0x280  }
0x19: {  	_ =	swait.ge [sflag:s16], $0x280  }
0x1a: {  	[sflag:s16] =	ssyncset.done $0x0  }
0x1b: {  	[sflag:s16] =	ssyncadd.s32 $0xFFFFFD80  }
0x1c: {  	[tilespmem:s18], [sflag:$0x3] =	stream.linear.gather [hbm4b:s8+s4], $0x3E80, $0x38;
	[tilespmem:$0x195A0] =	vst v63  }
0x1d: {  	_ =	swait.ge [sflag:s16], $0x3E80  }
0x1e: {  	[sflag:s16] =	ssyncset.done $0x0  }
0x1f: {  	[sflag:s16] =	ssyncadd.s32 $0xFFFFC180  }
0x20: {  	[tilespmem:s4], [sflag:$0x3] =	stream.linear.gather [hbm4b:s10+s4], $0x2710, $0x38;
	[tilespmem:$0x195A0] =	vst v63  }
0x21: {  	_ =	swait.ge [sflag:s16], $0x2710  }
0x22: {  	[sflag:s16] =	ssyncset.done $0x0  }
0x23: {  	s0 =	simm.s32 $0x2710;
	[sflag:s16] =	ssyncadd.s32 $0xFFFFD8F0  }
0x24: {  	[tilespmem:s0], [sflag:$0x3] =	stream.linear.gather [hbm4b:s11+s4], $0x2710, $0x38;
	[tilespmem:$0x195A0] =	vst v63  }
0x25: {  	_ =	swait.ge [sflag:s16], $0x2710  }
0x26: {  	[sflag:s16] =	ssyncset.done $0x0  }
0x27: {  	[sflag:s16] =	ssyncadd.s32 $0xFFFFD8F0  }
0x28: {  	[bflag:$0x0] =	sbarrier.arrive $0xFFFF  }
0x29: {  	[tilespmem:s21], [sflag:$0x1] =	stream.indirect.gather [hbm4b:s5+s20], $0x40, s4, s20, $0xb8;
	[tilespmem:$0x195A0] =	vst v63  }
0x2a: {  	_ = 	snop  }
0x2b: {  	[tilespmem:s22], [sflag:$0x2] =	stream.indirect.gather [hbm4b:s5+s20], $0x40, s20, s20, $0xb8;
	[tilespmem:$0x195A0] =	vst v63  }
0x2c: {  	_ =	swait.ge [sflag:s23], $0x3200  }
0x2d: {  	[sflag:s23] =	ssyncset.done $0x0  }
0x2e: {  	s25 =	simm.s32 $0x2710;
	[sflag:s23] =	ssyncadd.s32 $0xFFFFCE00  }
0x2f: {  	[spmem:s2] =	stream.indirect.scatter.add.f32 [tilespmem:s21], [sflag:$0x3], $0x40, s25, s20, $0xb8;
	[tilespmem:$0x195A0] =	vst v63  }
0x30: {  	_ =	swait.ge [sflag:s16], $0x3200  }
0x31: {  	[sflag:s16] =	ssyncset.done $0x0  }
0x32: {  	s19 =	simm.s32 $0x190;
	[sflag:s16] =	ssyncadd.s32 $0xFFFFCE00  }
0x33: {  	[tilespmem:s21], [sflag:$0x1] =	stream.indirect.gather [hbm4b:s5+s20], $0x40, s19, s20, $0xb8;
	[tilespmem:$0x195A0] =	vst v63  }
0x34: {  	_ =	swait.ge [sflag:s24], $0x3200  }
0x35: {  	[sflag:s24] =	ssyncset.done $0x0  }
0x36: {  	s25 =	simm.s32 $0x27D8;
	[sflag:s24] =	ssyncadd.s32 $0xFFFFCE00  }
0x37: {  	[spmem:s2] =	stream.indirect.scatter.add.f32 [tilespmem:s22], [sflag:$0x3], $0x40, s25, s20, $0xb8;
	[tilespmem:$0x195A0] =	vst v63  }
0x38: {  	_ =	swait.ge [sflag:s16], $0x3200  }
0x39: {  	[sflag:s16] =	ssyncset.done $0x0  }
0x3a: {  	s0 =	simm.s32 $0x640;
	s19 =	simm.s32 $0x258;
	[sflag:s16] =	ssyncadd.s32 $0xFFFFCE00  }
.LBB2_2:
0x3b: {  	[tilespmem:s22], [sflag:$0x2] =	stream.indirect.gather [hbm4b:s5+s20], $0x40, s19, s20, $0xb8;
	[tilespmem:$0x195A0] =	vst v63  }
0x3c: {  	s19 =	smov.u32 s0  }
0x3d: {  	p0 =	sne.s32 s0, $0x8FC0;
	s0 =	sadd.s32 $0x640, s0;
	_ =	swait.ge [sflag:s23], $0x3200  }
0x3e: {  	s19 =	sshra.s32 s19, $0x2;
	[sflag:s23] =	ssyncset.done $0x0  }
0x3f: {  	s25 =	sadd.s32 $0x2710, s19;
	[sflag:s23] =	ssyncadd.s32 $0xFFFFCE00  }
0x40: {  	[spmem:s2] =	stream.indirect.scatter.add.f32 [tilespmem:s21], [sflag:$0x3], $0x40, s25, s20, $0xb8;
	[tilespmem:$0x195A0] =	vst v63  }
0x41: {  	_ =	swait.ge [sflag:s16], $0x3200  }
0x42: {  	[sflag:s16] =	ssyncset.done $0x0  }
0x43: {  	s25 =	sadd.s32 $0x190, s19;
	[sflag:s16] =	ssyncadd.s32 $0xFFFFCE00  }
0x44: {  	[tilespmem:s21], [sflag:$0x1] =	stream.indirect.gather [hbm4b:s5+s20], $0x40, s25, s20, $0xb8;
	[tilespmem:$0x195A0] =	vst v63  }
0x45: {  	_ =	swait.ge [sflag:s24], $0x3200  }
0x46: {  	[sflag:s24] =	ssyncset.done $0x0  }
.Ltmp0:
0x47: {  	s25 =	sadd.s32 $0x27D8, s19;
	[sflag:s24] =	ssyncadd.s32 $0xFFFFCE00;
	(pc) =	sbr.rel @p0 .LBB2_2-.Ltmp0, $4  }
0x48: {  	[spmem:s2] =	stream.indirect.scatter.add.f32 [tilespmem:s22], [sflag:$0x3], $0x40, s25, s20, $0xb8;
	[tilespmem:$0x195A0] =	vst v63  }
0x49: {  	_ =	swait.ge [sflag:s16], $0x3200  }
0x4a: {  	[sflag:s16] =	ssyncset.done $0x0  }
0x4b: {  	s19 =	sadd.s32 $0x258, s19;
	[sflag:s16] =	ssyncadd.s32 $0xFFFFCE00  }
0x4c: {  	[tilespmem:s22], [sflag:$0x2] =	stream.indirect.gather [hbm4b:s5+s20], $0x40, s19, s20, $0xb8;
	[tilespmem:$0x195A0] =	vst v63  }
0x4d: {  	_ =	swait.ge [sflag:s23], $0x3200  }
0x4e: {  	[sflag:s23] =	ssyncset.done $0x0  }
0x4f: {  	s0 =	simm.s32 $0x4C90;
	[sflag:s23] =	ssyncadd.s32 $0xFFFFCE00  }
0x50: {  	[spmem:s2] =	stream.indirect.scatter.add.f32 [tilespmem:s21], [sflag:$0x3], $0x40, s0, s20, $0xb8;
	[tilespmem:$0x195A0] =	vst v63  }
0x51: {  	_ =	swait.ge [sflag:s16], $0x3200  }
0x52: {  	[sflag:s16] =	ssyncset.done $0x0  }
0x53: {  	[sflag:s16] =	ssyncadd.s32 $0xFFFFCE00  }
0x54: {  	_ =	swait.ge [sflag:s24], $0x3200  }
0x55: {  	[sflag:s24] =	ssyncset.done $0x0  }
0x56: {  	[sflag:s24] =	ssyncadd.s32 $0xFFFFCE00  }
0x57: {  	[spmem:s2] =	stream.indirect.scatter.add.f32 [tilespmem:s22], [sflag:$0x3], $0x40, s26, s20, $0xb8;
	[tilespmem:$0x195A0] =	vst v63  }
0x58: {  	_ =	swait.ge [sflag:s16], $0x3200  }
0x59: {  	[sflag:s16] =	ssyncset.done $0x0  }
0x5a: {  	[sflag:s16] =	ssyncadd.s32 $0xFFFFCE00  }
0x5b: {  	[spmem:s3] =	stream.indirect.scatter.add.f32 [tilespmem:s18], [sflag:$0x3], $0x2, s4, s28, $0xb8;
	[tilespmem:$0x195A0] =	vst v63  }
0x5c: {  	_ =	swait.ge [sflag:s16], $0xFA0  }
0x5d: {  	[sflag:s16] =	ssyncset.done $0x0  }
0x5e: {  	[sflag:s16] =	ssyncadd.s32 $0xFFFFF060  }
0x5f: {  	[spmem:s3] =	stream.indirect.scatter.add.f32 [tilespmem:s18], [sflag:$0x3], $0x2, s28, s28, $0xb8;
	[tilespmem:$0x195A0] =	vst v63  }
0x60: {  	_ =	swait.ge [sflag:s16], $0xFA0  }
0x61: {  	[sflag:s16] =	ssyncset.done $0x0  }
0x62: {  	[sflag:s16] =	ssyncadd.s32 $0xFFFFF060  }
0x63: {  	[spmem:s3] =	stream.indirect.scatter.add.f32 [tilespmem:s18], [sflag:$0x3], $0x2, s29, s28, $0xb8;
	[tilespmem:$0x195A0] =	vst v63  }
0x64: {  	_ =	swait.ge [sflag:s16], $0xFA0  }
0x65: {  	[sflag:s16] =	ssyncset.done $0x0  }
0x66: {  	[sflag:s16] =	ssyncadd.s32 $0xFFFFF060  }
0x67: {  	[spmem:s3] =	stream.indirect.scatter.add.f32 [tilespmem:s18], [sflag:$0x3], $0x2, s30, s28, $0xb8;
	[tilespmem:$0x195A0] =	vst v63  }
0x68: {  	_ =	swait.ge [sflag:s16], $0xFA0  }
0x69: {  	[sflag:s16] =	ssyncset.done $0x0  }
0x6a: {  	[sflag:s16] =	ssyncadd.s32 $0xFFFFF060  }
0x6b: {  	[spmem:s3] =	stream.indirect.scatter.add.f32 [tilespmem:s18], [sflag:$0x3], $0x2, s31, s28, $0xb8;
	[tilespmem:$0x195A0] =	vst v63  }
0x6c: {  	_ =	swait.ge [sflag:s16], $0xFA0  }
0x6d: {  	[sflag:s16] =	ssyncset.done $0x0  }
0x6e: {  	[sflag:s16] =	ssyncadd.s32 $0xFFFFF060  }
0x6f: {  	[bflag:$0x0] =	sbarrier.arrive $0xFFFF  }
0x70: {  	[hbm:s12], [sflag:s9] =	dma.local [spmem:s15], $0x1400  }
0x71: {  	s1 =	sadd.s32 $0x1, s1;
	_ =	swait.ge [sflag:s16], $0x1400  }
0x72: {  	p0 =	sne.s32 s1, s14;
	[sflag:s16] =	ssyncset.done $0x0  }
.Ltmp1:
0x73: {  	[sflag:s16] =	ssyncadd.s32 $0xFFFFEC00;
	(pc) =	sbr.rel @p0 .LBB2_1-.Ltmp1, $4  }
0x74: {  	[hbm:s13], [sflag:s9] =	dma.local [spmem:s17], $0x280  }
0x75: {  	_ =	swait.ge [sflag:s16], $0x280  }
0x76: {  	[sflag:s16] =	ssyncset.done $0x0  }
0x77: {  	[sflag:s16] =	ssyncadd.s32 $0xFFFFFD80  }
0x78: {  	_ =	sfence.sel $0x180000  }
0x79: {  	[bflag:$0x0] =	sbarrier.arrive $0xFFFF  }
0x7a: {  	_ =	strace $0x90000047  }
0x7b: {  	s0 =	stileid.u32;
	[bflag:$0x2] =	sbarrier.arrive $0xFFFF  }
0x7c: {  	p0 =	sne.s32 s0, $0x0;
	s0 =	rddreg [dreg:$0x3]  }
0x7d: {  	s0 =	sadd.s32 @!p0 $0x100000, s0  }
0x7e: {  	[sflag:s0] =	ssyncadd.tile.s32 @!p0 $0x1;
	_ =	shalt  }
.Lfunc_end2:
_tile_overlayer_lowered:
.L_overlay_start_2:
0x7f: {  	(tag) =	ssettag $0x2  }
0x80: {  	s0 =	rddreg [dreg:$0x0];
	s2 =	stileid.u32  }
0x81: {  	s1 =	rddreg [dreg:$0x1];
	p0 =	sne.s32 s2, $0x0  }
0x82: {  	s3 =	rddreg [dreg:$0x2];
	[bflag:$0x3] =	sbarrier.arrive $0xFFFF;
	s2 =	simm.s32 @!p0 $0x1C03  }
0x83: {  	[timem:s3], [sflag:s2] =	dma.local @!p0 [hbm:s0], s1  }
0x84: {  	s0 =	simm.s32 @!p0 $0x3  }
0x85: {  	_ =	swait.ge @!p0 [sflag:s0], s1  }
0x86: {  	s1 =	ssub.s32 @!p0 $0x0, s1;
	[sflag:s0] =	ssyncset.done @!p0 $0x0  }
0x87: {  	[sflag:s0] =	ssyncadd.s32 @!p0 s1  }
0x88: {  	[bflag:$0x3] =	sbarrier.arrive $0xFFFF  }
0x89: {  	_ =	shalt  }

</sc_bundles>
